<compile_context>
chip_gen: v7x
topology: tpu7x:2x2x1
jax: 0.10.2.dev20260603
libtpu: 0.0.44.dev20260713+nightly
codegen_flags: <defaults>
</compile_context>

<pallas_src>
import functools

import jax
import jax.numpy as jnp
from jax import lax
from jax.experimental import pallas as pl
from jax.experimental.pallas import tpu as pltpu
from jax.experimental.pallas import tpu_sc as plsc

_VOCAB = 50257
_D = 768
_K = 50
_TV = 2048
_NV = (_VOCAB + _TV - 1) // _TV
_NEG = -1e30
_DEP = 12


def _sc_gather(last_idx, wte):
    B = last_idx.shape[0]
    D = wte.shape[1]
    nwork = 8
    bpw = B // nwork
    mesh = plsc.VectorSubcoreMesh(core_axis_name="c", subcore_axis_name="s")

    @functools.partial(
        pl.kernel,
        mesh=mesh,
        out_type=jax.ShapeDtypeStruct((B, D), jnp.float32),
        scratch_types=[
            pltpu.VMEM((bpw,), jnp.int32),
            pltpu.VMEM((bpw, D), jnp.float32),
            pltpu.SemaphoreType.DMA,
        ],
    )
    def gather_kernel(idx_hbm, table_hbm, out_hbm, idx_v, rows_v, sem):
        nc = 2
        wid = lax.axis_index("s") * nc + lax.axis_index("c")

        @pl.when(wid < nwork)
        def _():
            base = wid * bpw
            pltpu.sync_copy(idx_hbm.at[pl.ds(base, bpw)], idx_v)
            pltpu.async_copy(table_hbm.at[idx_v], rows_v, sem).wait()
            pltpu.sync_copy(rows_v, out_hbm.at[pl.ds(base, bpw)])

    return gather_kernel(last_idx, wte)


def _tc_body(h_ref, w_ref, g_ref, tok_ref, probs_ref, idx_ref, logits_ref,
             m_ref, rl_ref, cl_ref):
    v = pl.program_id(0)
    B = h_ref.shape[0]

    lane = lax.broadcasted_iota(jnp.int32, (B, _TV), 1)
    cols = lane + v * _TV
    lt = jnp.dot(h_ref[...], w_ref[...], preferred_element_type=jnp.float32)
    lt = jnp.where(cols < _VOCAB, lt, _NEG)
    logits_ref[v] = lt
    ltmax = jnp.max(lt, axis=1, keepdims=True)

    @pl.when(v == 0)
    def _():
        m_ref[...] = ltmax

    @pl.when(v > 0)
    def _():
        m_ref[...] = jnp.maximum(m_ref[...], ltmax)

    @pl.when(v == _NV - 1)
    def _finalize():
        neg_inf = jnp.float32(-jnp.inf)
        log2e = jnp.float32(1.4426950408889634)
        m = m_ref[...]

        def se(j, acc):
            ej = jnp.exp2(log2e * (logits_ref[j] - m))
            logits_ref[j] = ej
            for t in range(_TV // 128):
                acc = acc + ej[:, t * 128:(t + 1) * 128]
            return acc

        acc = lax.fori_loop(0, _NV, se, jnp.zeros((B, 128), jnp.float32))
        c = acc[:, 0:8]
        for t in range(1, 16):
            c = c + acc[:, 8 * t:8 * (t + 1)]
        u = c[:, 0:4] + c[:, 4:8]
        w = u[:, 0:2] + u[:, 2:4]
        s = w[:, 0:1] + w[:, 1:2]
        r = pl.reciprocal(s, approx=True)

        kiota = lax.broadcasted_iota(jnp.int32, (B, _K), 1)

        lane32 = lax.broadcasted_iota(jnp.int32, (B, 32), 1)

        def build(j, _):
            cj = lane + j * _TV
            cur = jnp.where(cj < _VOCAB, logits_ref[j] * r, -1.0)
            logits_ref[j] = cur
            ins = lane32 == j
            for d in range(_DEP):
                mj = jnp.max(cur, axis=1, keepdims=True)
                aj = jnp.min(jnp.where(cur == mj, lane, _TV), axis=1,
                             keepdims=True)
                gcol = aj + j * _TV
                rl_ref[d] = jnp.where(ins, mj, rl_ref[d])
                cl_ref[d] = jnp.where(ins, gcol, cl_ref[d])
                if d + 1 < _DEP:
                    cur = jnp.where(lane == aj, neg_inf, cur)
            return 0

        lax.fori_loop(0, _NV, build, 0)

        def pick_fast(k, carry):
            vals, colsb, cnt = carry
            cur = jnp.full((B, 32), neg_inf, jnp.float32)
            acol = jnp.zeros((B, 32), jnp.int32)
            for d in range(_DEP):
                hit = cnt == d
                cur = jnp.where(hit, rl_ref[d], cur)
                acol = jnp.where(hit, cl_ref[d], acol)
            cur = jnp.where(lane32 < _NV, cur, neg_inf)
            cm = jnp.max(cur, axis=1, keepdims=True)
            cidx = jnp.min(jnp.where(cur == cm, lane32, 32), axis=1,
                           keepdims=True)
            hitl = lane32 == cidx
            ca = jnp.sum(jnp.where(hitl, acol, 0), axis=1, keepdims=True)
            cnt = jnp.where(hitl, cnt + 1, cnt)
            sel = kiota == k
            vals = jnp.where(sel, cm, vals)
            colsb = jnp.where(sel, ca, colsb)
            return vals, colsb, cnt

        vals_f, colsb_f, cnt = lax.fori_loop(
            0, _K, pick_fast,
            (jnp.zeros((B, _K), jnp.float32),
             jnp.zeros((B, _K), jnp.int32),
             jnp.zeros((B, 32), jnp.int32)))
        overflow = jnp.any(cnt >= _DEP)

        def pick_slow(_):
            def pick(k, carry):
                vals, colsb, prev = carry

                def scan(j, c):
                    cm, ca = c
                    xj = logits_ref[j]
                    xj = jnp.where(lane == prev - j * _TV, neg_inf, xj)
                    logits_ref[j] = xj
                    mj = jnp.max(xj, axis=1, keepdims=True)
                    aj = jnp.min(jnp.where(xj == mj, lane, _TV), axis=1,
                                 keepdims=True) + j * _TV
                    better = mj > cm
                    return jnp.maximum(cm, mj), jnp.where(better, aj, ca)

                cm, ca = lax.fori_loop(
                    0, _NV, scan,
                    (jnp.full((B, 1), neg_inf, jnp.float32),
                     jnp.zeros((B, 1), jnp.int32)))
                sel = kiota == k
                vals = jnp.where(sel, cm, vals)
                colsb = jnp.where(sel, ca, colsb)
                return vals, colsb, ca

            vals, colsb, _ = lax.fori_loop(
                0, _K, pick,
                (jnp.zeros((B, _K), jnp.float32),
                 jnp.zeros((B, _K), jnp.int32),
                 jnp.full((B, 1), -1, jnp.int32)))
            return vals, colsb

        vals, colsb = lax.cond(
            overflow, pick_slow, lambda _: (vals_f, colsb_f), 0)

        probs = vals
        y = jnp.log(probs + 1e-20) + g_ref[...]
        ym = jnp.max(y, axis=1, keepdims=True)
        ix = jnp.min(jnp.where(y == ym, kiota, _K), axis=1, keepdims=True)
        tok = jnp.sum(jnp.where(kiota == ix, colsb, 0), axis=1, keepdims=True)

        tok_ref[...] = tok
        probs_ref[...] = probs
        idx_ref[...] = colsb


def _tc_call(h, w_unembed, g):
    B = h.shape[0]
    return pl.pallas_call(
        _tc_body,
        grid=(_NV,),
        in_specs=[
            pl.BlockSpec((B, _D), lambda v: (0, 0)),
            pl.BlockSpec((_D, _TV), lambda v: (0, v)),
            pl.BlockSpec((B, _K), lambda v: (0, 0)),
        ],
        out_specs=[
            pl.BlockSpec((B, 1), lambda v: (0, 0)),
            pl.BlockSpec((B, _K), lambda v: (0, 0)),
            pl.BlockSpec((B, _K), lambda v: (0, 0)),
        ],
        out_shape=[
            jax.ShapeDtypeStruct((B, 1), jnp.int32),
            jax.ShapeDtypeStruct((B, _K), jnp.float32),
            jax.ShapeDtypeStruct((B, _K), jnp.int32),
        ],
        scratch_shapes=[pltpu.VMEM((_NV, B, _TV), jnp.float32),
                        pltpu.VMEM((B, 1), jnp.float32),
                        pltpu.VMEM((_DEP, B, 32), jnp.float32),
                        pltpu.VMEM((_DEP, B, 32), jnp.int32)],
        compiler_params=pltpu.CompilerParams(
            dimension_semantics=("arbitrary",)),
    )(h, w_unembed, g)


def kernel(idx, wte, w_unembed):
    last_idx = idx[:, -1]
    h = _sc_gather(last_idx, wte)
    g = jax.random.gumbel(jax.random.key(42), (idx.shape[0], _K), jnp.float32)
    next_token, topk_probs, topk_indices = _tc_call(h, w_unembed, g)
    return next_token, topk_probs, topk_indices

# --- scband reference (transcript-rebuilt; emitter-appended) ---
"""Pipeline reference for scband-language-model-47828755808623 (READ-ONLY COPY).

The authoritative reference and input builder live on the scoring server;
editing this copy changes nothing except your own understanding.
"""

import jax, jax.numpy as jnp
import numpy as np

VOCAB = 50257
D_MODEL = 768
CONTEXT_SIZE = 2048
TOP_K = 50
TEMPERATURE = 1.0


def setup_inputs(seed: int = 0) -> dict:
    key = jax.random.key(seed)
    k1, k2, k3 = jax.random.split(key, 3)
    idx = jax.random.randint(k1, (64, 2048), 0, VOCAB, dtype=jnp.int64 if jax.config.jax_enable_x64 else jnp.int32)
    # Learned params: a simple embedding -> unembedding head standing in for the
    # abstract forward(). Memory-bound: big embedding gather + vocab-wide logits.
    wte = jax.random.normal(k2, (VOCAB, D_MODEL), dtype=jnp.float32) * 0.02
    w_unembed = jax.random.normal(k3, (D_MODEL, VOCAB), dtype=jnp.float32) * 0.02
    return {"idx": idx, "wte": wte, "w_unembed": w_unembed}


def reference(idx, wte, w_unembed):
    # _sample_next path of LanguageModel:
    # 1) crop to context_size
    idx_cropped = idx[:, -CONTEXT_SIZE:]
    # 2) forward -> logits (B, T, V): embedding gather + unembed projection
    h = jnp.take(wte, idx_cropped, axis=0)          # (B, T, D) gather
    logits = h @ w_unembed                           # (B, T, V)
    # 3) take last position
    logits_last = logits[:, -1, :]                   # (B, V)
    # 4) temperature
    logits_last = logits_last / TEMPERATURE
    # 5) softmax
    probs = jax.nn.softmax(logits_last, axis=-1)
    # 6) top-k then multinomial over topk_probs (Gumbel-max trick for categorical)
    topk_probs, topk_indices = jax.lax.top_k(probs, TOP_K)   # (B, K)
    gkey = jax.random.key(42)
    g = jax.random.gumbel(gkey, topk_probs.shape, dtype=jnp.float32)
    ix = jnp.argmax(jnp.log(topk_probs + 1e-20) + g, axis=-1, keepdims=True)  # (B, 1)
    # 7) gather the sampled token id
    next_token = jnp.take_along_axis(topk_indices, ix, axis=-1)  # (B, 1)
    return next_token, topk_probs, topk_indices

if __name__ == "__main__":
    import jax
    _d = setup_inputs()
    print(jax.jit(kernel)(*tuple(_d.values())))

</pallas_src>

<mosaic_0001>
#map = affine_map<(d0, d1) -> (0)>
#map1 = affine_map<(d0, d1) -> (0, 0)>
module attributes {stable_mosaic.version = 14 : i64} {
  func.func @gather_kernel(%arg0: i32, %arg1: i32, %arg2: memref<64xi32, #tpu.memory_space<hbm>>, %arg3: memref<50257x768xf32, #tpu.memory_space<hbm>>, %arg4: memref<64x768xf32, #tpu.memory_space<hbm>>, %arg5: memref<8xi32, #tpu.memory_space<vmem>>, %arg6: memref<8x768xf32, #tpu.memory_space<vmem>>, %arg7: memref<!tpu.dma_semaphore, #tpu.memory_space<semaphore_mem>>) attributes {dimension_semantics = [#tpu.dimension_semantics<core_parallel>, #tpu.dimension_semantics<subcore_parallel>], iteration_bounds = array<i64: 2, 16>, scalar_prefetch = 0 : i64, scratch_operands = 3 : i64, tpu.core_type = #tpu.core_type<sc_vector_subcore>, window_params = [{transform_indices = #map}, {transform_indices = #map1}, {transform_indices = #map1}]} {
    %mul3A = arith.constant 2 : i32
    %mul3A_0 = arith.muli %arg1, %mul3A : i32
    %add3A = arith.addi %mul3A_0, %arg0 : i32
    %lt3A = arith.constant 8 : i32
    %lt3A_1 = arith.cmpi slt, %add3A, %lt3A : i32
    %convert_element_type3A = arith.extui %lt3A_1 : i1 to i32
    %cond3A = arith.constant 0 : i32
    %cond3A_2 = arith.cmpi ne, %convert_element_type3A, %cond3A : i32
    scf.if %cond3A_2 {
      %mul3A_3 = arith.constant 8 : i32
      %mul3A_4 = arith.muli %add3A, %mul3A_3 : i32
      "tpu.region"() ({
        %run_scoped3A = tpu.sem_alloc : memref<!tpu.dma_semaphore, #tpu.memory_space<semaphore_mem>>
        %dma_start3A_9 = tpu.memref_slice %arg2[%mul3A_4] : memref<64xi32, #tpu.memory_space<hbm>> -> memref<8xi32, #tpu.memory_space<hbm>>
        %dma_start3A_10 = tpu.memref_slice %arg2[%mul3A_4] : memref<64xi32, #tpu.memory_space<hbm>> -> memref<8xi32, #tpu.memory_space<hbm>>
        tpu.enqueue_dma source(%dma_start3A_10 : memref<8xi32, #tpu.memory_space<hbm>>) target(%arg5 : memref<8xi32, #tpu.memory_space<vmem>>) target_semaphore(%run_scoped3A : memref<!tpu.dma_semaphore, #tpu.memory_space<semaphore_mem>>)
        %dma_wait3A_11 = tpu.memref_slice %arg2[%mul3A_4] : memref<64xi32, #tpu.memory_space<hbm>> -> memref<8xi32, #tpu.memory_space<hbm>>
        %dma_wait3A_12 = tpu.memref_slice %arg2[%mul3A_4] : memref<64xi32, #tpu.memory_space<hbm>> -> memref<8xi32, #tpu.memory_space<hbm>>
        tpu.wait_dma2 semaphore(%run_scoped3A : memref<!tpu.dma_semaphore, #tpu.memory_space<semaphore_mem>>) src(%dma_wait3A_12 : memref<8xi32, #tpu.memory_space<hbm>>) dst(%arg5 : memref<8xi32, #tpu.memory_space<vmem>>)
        tpu.yield
      }) : () -> ()
      %dma_start3A = arith.constant 0 : i32
      %dma_start3A_5 = arith.constant 0 : i32
      %dma_start3A_6 = tpu.memref_slice %arg3[%dma_start3A, %dma_start3A_5] : memref<50257x768xf32, #tpu.memory_space<hbm>> -> memref<50257x768xf32, #tpu.memory_space<hbm>>
      tpu.enqueue_indirect_dma source(%dma_start3A_6 : memref<50257x768xf32, #tpu.memory_space<hbm>>) target(%arg6 : memref<8x768xf32, #tpu.memory_space<vmem>>) offsets(%arg5 : memref<8xi32, #tpu.memory_space<vmem>>) semaphore(%arg7 : memref<!tpu.dma_semaphore, #tpu.memory_space<semaphore_mem>>)
      %dma_wait3A = arith.constant 0 : i32
      %dma_wait3A_7 = arith.constant 0 : i32
      %dma_wait3A_8 = tpu.memref_slice %arg3[%dma_wait3A, %dma_wait3A_7] : memref<50257x768xf32, #tpu.memory_space<hbm>> -> memref<50257x768xf32, #tpu.memory_space<hbm>>
      tpu.wait_indirect_dma semaphore(%arg7 : memref<!tpu.dma_semaphore, #tpu.memory_space<semaphore_mem>>) src(%dma_wait3A_8 : memref<50257x768xf32, #tpu.memory_space<hbm>>) dst(%arg6 : memref<8x768xf32, #tpu.memory_space<vmem>>)
      "tpu.region"() ({
        %run_scoped3A = tpu.sem_alloc : memref<!tpu.dma_semaphore, #tpu.memory_space<semaphore_mem>>
        %dma_start3A_9 = arith.constant 0 : i32
        %dma_start3A_10 = tpu.memref_slice %arg4[%mul3A_4, %dma_start3A_9] : memref<64x768xf32, #tpu.memory_space<hbm>> -> memref<8x768xf32, #tpu.memory_space<hbm>>
        %dma_start3A_11 = arith.constant 0 : i32
        %dma_start3A_12 = tpu.memref_slice %arg4[%mul3A_4, %dma_start3A_11] : memref<64x768xf32, #tpu.memory_space<hbm>> -> memref<8x768xf32, #tpu.memory_space<hbm>>
        tpu.enqueue_dma source(%arg6 : memref<8x768xf32, #tpu.memory_space<vmem>>) target(%dma_start3A_12 : memref<8x768xf32, #tpu.memory_space<hbm>>) target_semaphore(%run_scoped3A : memref<!tpu.dma_semaphore, #tpu.memory_space<semaphore_mem>>)
        %dma_wait3A_13 = arith.constant 0 : i32
        %dma_wait3A_14 = tpu.memref_slice %arg4[%mul3A_4, %dma_wait3A_13] : memref<64x768xf32, #tpu.memory_space<hbm>> -> memref<8x768xf32, #tpu.memory_space<hbm>>
        %dma_wait3A_15 = arith.constant 0 : i32
        %dma_wait3A_16 = tpu.memref_slice %arg4[%mul3A_4, %dma_wait3A_15] : memref<64x768xf32, #tpu.memory_space<hbm>> -> memref<8x768xf32, #tpu.memory_space<hbm>>
        tpu.wait_dma2 semaphore(%run_scoped3A : memref<!tpu.dma_semaphore, #tpu.memory_space<semaphore_mem>>) src(%arg6 : memref<8x768xf32, #tpu.memory_space<vmem>>) dst(%dma_wait3A_16 : memref<8x768xf32, #tpu.memory_space<hbm>>)
        tpu.yield
      }) : () -> ()
    } else {
    }
    return
  }
}

module attributes {stable_mosaic.version = 14 : i64} {
  func.func @_tc_body(%arg0: i32, %arg1: memref<64x768xf32, #tpu.memory_space<vmem>>, %arg2: memref<768x2048xf32, #tpu.memory_space<vmem>>, %arg3: memref<64x50xf32, #tpu.memory_space<vmem>>, %arg4: memref<64x1xi32, #tpu.memory_space<vmem>>, %arg5: memref<64x50xf32, #tpu.memory_space<vmem>>, %arg6: memref<64x50xi32, #tpu.memory_space<vmem>>, %arg7: memref<25x64x2048xf32, #tpu.memory_space<vmem>>, %arg8: memref<64x1xf32, #tpu.memory_space<vmem>>, %arg9: memref<12x64x32xf32, #tpu.memory_space<vmem>>, %arg10: memref<12x64x32xi32, #tpu.memory_space<vmem>>) attributes {dimension_semantics = [#tpu.dimension_semantics<arbitrary>], iteration_bounds = array<i64: 25>, scalar_prefetch = 0 : i64, scratch_operands = 4 : i64, tpu.core_type = #tpu.core_type<tc>, window_params = [{pipeline_mode = #tpu.pipeline_mode<synchronous>, transform_indices = @transform_0, window_bounds = array<i64: 64, 768>}, {transform_indices = @transform_1, window_bounds = array<i64: 768, 2048>}, {pipeline_mode = #tpu.pipeline_mode<synchronous>, transform_indices = @transform_2, window_bounds = array<i64: 64, 50>}, {pipeline_mode = #tpu.pipeline_mode<synchronous>, transform_indices = @transform_3, window_bounds = array<i64: 64, 1>}, {pipeline_mode = #tpu.pipeline_mode<synchronous>, transform_indices = @transform_4, window_bounds = array<i64: 64, 50>}, {pipeline_mode = #tpu.pipeline_mode<synchronous>, transform_indices = @transform_5, window_bounds = array<i64: 64, 50>}]} {
    %iota3A = tpu.iota {dimensions = array<i32: 1>} : vector<64x2048xi32>
    %mul3A = arith.constant 2048 : i32
    %mul3A_0 = arith.muli %arg0, %mul3A : i32
    %add3A = vector.broadcast %mul3A_0 : i32 to vector<64x2048xi32>
    %add3A_1 = arith.addi %iota3A, %add3A : vector<64x2048xi32>
    %get3A = arith.constant 0 : index
    %get3A_2 = arith.constant 0 : index
    %get3A_3 = vector.load %arg1[%get3A, %get3A_2] : memref<64x768xf32, #tpu.memory_space<vmem>>, vector<64x768xf32>
    %get3A_4 = arith.constant 0 : index
    %get3A_5 = arith.constant 0 : index
    %get3A_6 = vector.load %arg2[%get3A_4, %get3A_5] : memref<768x2048xf32, #tpu.memory_space<vmem>>, vector<768x2048xf32>
    %dot_general3A = arith.constant dense<0.000000e+00> : vector<64x2048xf32>
    %dot_general3A_7 = tpu.matmul %get3A_3, %get3A_6, %dot_general3A {dimension_numbers = #tpu.dot_dimension_numbers<[1], [0], [0], [1], [0, 0, 1, 1], [], []>, transpose_lhs_hint = false} : vector<64x768xf32>, vector<768x2048xf32>, vector<64x2048xf32> -> vector<64x2048xf32>
    %lt3A = arith.constant 50257 : i32
    %lt3A_8 = vector.broadcast %lt3A : i32 to vector<64x2048xi32>
    %lt3A_9 = arith.cmpi slt, %add3A_1, %lt3A_8 : vector<64x2048xi32>
    %jit3A = arith.constant -1.000000e+30 : f32
    %broadcast_in_dim3A = vector.broadcast %jit3A : f32 to vector<64x2048xf32>
    %select_n3A = arith.select %lt3A_9, %dot_general3A_7, %broadcast_in_dim3A : vector<64x2048xi1>, vector<64x2048xf32>
    %swap3A = arith.index_cast %arg0 : i32 to index
    %swap3A_10 = arith.constant 0 : index
    %swap3A_11 = arith.constant 0 : index
    %swap3A_12 = vector.load %arg7[%swap3A, %swap3A_10, %swap3A_11] : memref<25x64x2048xf32, #tpu.memory_space<vmem>>, vector<1x64x2048xf32>
    %swap3A_13 = vector.shape_cast %swap3A_12 : vector<1x64x2048xf32> to vector<64x2048xf32>
    %swap3A_14 = vector.shape_cast %select_n3A : vector<64x2048xf32> to vector<1x64x2048xf32>
    tpu.vector_store %arg7[%swap3A, %swap3A_10, %swap3A_11], %swap3A_14 {strides = array<i32>} : memref<25x64x2048xf32, #tpu.memory_space<vmem>>, vector<1x64x2048xf32>,
    %reduce_max3A = arith.constant dense<0xFF800000> : vector<64xf32>
    %reduce_max3A_15 = vector.multi_reduction <maximumf>, %select_n3A, %reduce_max3A [1] : vector<64x2048xf32> to vector<64xf32>
    %broadcast_in_dim3A_16 = vector.shape_cast %reduce_max3A_15 : vector<64xf32> to vector<64x1xf32>
    %eq3A = arith.constant 0 : i32
    %eq3A_17 = arith.cmpi eq, %arg0, %eq3A : i32
    %convert_element_type3A = arith.extui %eq3A_17 : i1 to i32
    %cond3A = arith.constant 0 : i32
    %cond3A_18 = arith.cmpi ne, %convert_element_type3A, %cond3A : i32
    scf.if %cond3A_18 {
      %swap3A_28 = arith.constant 0 : index
      %swap3A_29 = arith.constant 0 : index
      %swap3A_30 = vector.load %arg8[%swap3A_28, %swap3A_29] : memref<64x1xf32, #tpu.memory_space<vmem>>, vector<64x1xf32>
      tpu.vector_store %arg8[%swap3A_28, %swap3A_29], %broadcast_in_dim3A_16 {strides = array<i32>} : memref<64x1xf32, #tpu.memory_space<vmem>>, vector<64x1xf32>,
    } else {
    }
    %gt3A = arith.constant 0 : i32
    %gt3A_19 = arith.cmpi sgt, %arg0, %gt3A : i32
    %convert_element_type3A_20 = arith.extui %gt3A_19 : i1 to i32
    %cond3A_21 = arith.constant 0 : i32
    %cond3A_22 = arith.cmpi ne, %convert_element_type3A_20, %cond3A_21 : i32
    scf.if %cond3A_22 {
      %get3A_28 = arith.constant 0 : index
      %get3A_29 = arith.constant 0 : index
      %get3A_30 = vector.load %arg8[%get3A_28, %get3A_29] : memref<64x1xf32, #tpu.memory_space<vmem>>, vector<64x1xf32>
      %max3A = arith.maximumf %get3A_30, %broadcast_in_dim3A_16 : vector<64x1xf32>
      %swap3A_31 = arith.constant 0 : index
      %swap3A_32 = arith.constant 0 : index
      %swap3A_33 = vector.load %arg8[%swap3A_31, %swap3A_32] : memref<64x1xf32, #tpu.memory_space<vmem>>, vector<64x1xf32>
      tpu.vector_store %arg8[%swap3A_31, %swap3A_32], %max3A {strides = array<i32>} : memref<64x1xf32, #tpu.memory_space<vmem>>, vector<64x1xf32>,
    } else {
    }
    %eq3A_23 = arith.constant 24 : i32
    %eq3A_24 = arith.cmpi eq, %arg0, %eq3A_23 : i32
    %convert_element_type3A_25 = arith.extui %eq3A_24 : i1 to i32
    %cond3A_26 = arith.constant 0 : i32
    %cond3A_27 = arith.cmpi ne, %convert_element_type3A_25, %cond3A_26 : i32
    scf.if %cond3A_27 {
      %get3A_28 = arith.constant 0 : index
      %get3A_29 = arith.constant 0 : index
      %get3A_30 = vector.load %arg8[%get3A_28, %get3A_29] : memref<64x1xf32, #tpu.memory_space<vmem>>, vector<64x1xf32>
      %broadcast_in_dim3A_31 = arith.constant 0.000000e+00 : f32
      %broadcast_in_dim3A_32 = vector.broadcast %broadcast_in_dim3A_31 : f32 to vector<64x128xf32>
      %scan3A = arith.constant 1.44269502 : f32
      %scan3A_33 = arith.constant 0 : i32
      %scan3A_34 = arith.constant 25 : i32
      %scan3A_35 = arith.addi %scan3A_33, %scan3A_34 : i32
      %scan3A_36 = arith.constant 1 : i32
      %scan3A_37 = scf.for %scan3A_150 = %scan3A_33 to %scan3A_35 step %scan3A_36 iter_args(%scan3A_151 = %broadcast_in_dim3A_32) -> (vector<64x128xf32>)  : i32 {
        %get3A_152 = arith.index_cast %scan3A_150 : i32 to index
        %get3A_153 = arith.constant 0 : index
        %get3A_154 = arith.constant 0 : index
        %get3A_155 = vector.load %arg7[%get3A_152, %get3A_153, %get3A_154] : memref<25x64x2048xf32, #tpu.memory_space<vmem>>, vector<1x64x2048xf32>
        %get3A_156 = vector.shape_cast %get3A_155 : vector<1x64x2048xf32> to vector<64x2048xf32>
        %sub3A = vector.broadcast %get3A_30 : vector<64x1xf32> to vector<64x2048xf32>
        %sub3A_157 = arith.subf %get3A_156, %sub3A : vector<64x2048xf32>
        %mul3A_158 = vector.broadcast %scan3A : f32 to vector<64x2048xf32>
        %mul3A_159 = arith.mulf %mul3A_158, %sub3A_157 : vector<64x2048xf32>
        %exp23A = math.exp2 %mul3A_159 : vector<64x2048xf32>
        %swap3A_160 = arith.index_cast %scan3A_150 : i32 to index
        %swap3A_161 = arith.constant 0 : index
        %swap3A_162 = arith.constant 0 : index
        %swap3A_163 = vector.load %arg7[%swap3A_160, %swap3A_161, %swap3A_162] : memref<25x64x2048xf32, #tpu.memory_space<vmem>>, vector<1x64x2048xf32>
        %swap3A_164 = vector.shape_cast %swap3A_163 : vector<1x64x2048xf32> to vector<64x2048xf32>
        %swap3A_165 = vector.shape_cast %exp23A : vector<64x2048xf32> to vector<1x64x2048xf32>
        tpu.vector_store %arg7[%swap3A_160, %swap3A_161, %swap3A_162], %swap3A_165 {strides = array<i32>} : memref<25x64x2048xf32, #tpu.memory_space<vmem>>, vector<1x64x2048xf32>,
        %slice3A_166 = vector.extract_strided_slice %exp23A {offsets = [0, 0], sizes = [64, 128], strides = [1, 1]} : vector<64x2048xf32> to vector<64x128xf32>
        %add3A_167 = arith.addf %scan3A_151, %slice3A_166 : vector<64x128xf32>
        %slice3A_168 = vector.extract_strided_slice %exp23A {offsets = [0, 128], sizes = [64, 128], strides = [1, 1]} : vector<64x2048xf32> to vector<64x128xf32>
        %add3A_169 = arith.addf %add3A_167, %slice3A_168 : vector<64x128xf32>
        %slice3A_170 = vector.extract_strided_slice %exp23A {offsets = [0, 256], sizes = [64, 128], strides = [1, 1]} : vector<64x2048xf32> to vector<64x128xf32>
        %add3A_171 = arith.addf %add3A_169, %slice3A_170 : vector<64x128xf32>
        %slice3A_172 = vector.extract_strided_slice %exp23A {offsets = [0, 384], sizes = [64, 128], strides = [1, 1]} : vector<64x2048xf32> to vector<64x128xf32>
        %add3A_173 = arith.addf %add3A_171, %slice3A_172 : vector<64x128xf32>
        %slice3A_174 = vector.extract_strided_slice %exp23A {offsets = [0, 512], sizes = [64, 128], strides = [1, 1]} : vector<64x2048xf32> to vector<64x128xf32>
        %add3A_175 = arith.addf %add3A_173, %slice3A_174 : vector<64x128xf32>
        %slice3A_176 = vector.extract_strided_slice %exp23A {offsets = [0, 640], sizes = [64, 128], strides = [1, 1]} : vector<64x2048xf32> to vector<64x128xf32>
        %add3A_177 = arith.addf %add3A_175, %slice3A_176 : vector<64x128xf32>
        %slice3A_178 = vector.extract_strided_slice %exp23A {offsets = [0, 768], sizes = [64, 128], strides = [1, 1]} : vector<64x2048xf32> to vector<64x128xf32>
        %add3A_179 = arith.addf %add3A_177, %slice3A_178 : vector<64x128xf32>
        %slice3A_180 = vector.extract_strided_slice %exp23A {offsets = [0, 896], sizes = [64, 128], strides = [1, 1]} : vector<64x2048xf32> to vector<64x128xf32>
        %add3A_181 = arith.addf %add3A_179, %slice3A_180 : vector<64x128xf32>
        %slice3A_182 = vector.extract_strided_slice %exp23A {offsets = [0, 1024], sizes = [64, 128], strides = [1, 1]} : vector<64x2048xf32> to vector<64x128xf32>
        %add3A_183 = arith.addf %add3A_181, %slice3A_182 : vector<64x128xf32>
        %slice3A_184 = vector.extract_strided_slice %exp23A {offsets = [0, 1152], sizes = [64, 128], strides = [1, 1]} : vector<64x2048xf32> to vector<64x128xf32>
        %add3A_185 = arith.addf %add3A_183, %slice3A_184 : vector<64x128xf32>
        %slice3A_186 = vector.extract_strided_slice %exp23A {offsets = [0, 1280], sizes = [64, 128], strides = [1, 1]} : vector<64x2048xf32> to vector<64x128xf32>
        %add3A_187 = arith.addf %add3A_185, %slice3A_186 : vector<64x128xf32>
        %slice3A_188 = vector.extract_strided_slice %exp23A {offsets = [0, 1408], sizes = [64, 128], strides = [1, 1]} : vector<64x2048xf32> to vector<64x128xf32>
        %add3A_189 = arith.addf %add3A_187, %slice3A_188 : vector<64x128xf32>
        %slice3A_190 = vector.extract_strided_slice %exp23A {offsets = [0, 1536], sizes = [64, 128], strides = [1, 1]} : vector<64x2048xf32> to vector<64x128xf32>
        %add3A_191 = arith.addf %add3A_189, %slice3A_190 : vector<64x128xf32>
        %slice3A_192 = vector.extract_strided_slice %exp23A {offsets = [0, 1664], sizes = [64, 128], strides = [1, 1]} : vector<64x2048xf32> to vector<64x128xf32>
        %add3A_193 = arith.addf %add3A_191, %slice3A_192 : vector<64x128xf32>
        %slice3A_194 = vector.extract_strided_slice %exp23A {offsets = [0, 1792], sizes = [64, 128], strides = [1, 1]} : vector<64x2048xf32> to vector<64x128xf32>
        %add3A_195 = arith.addf %add3A_193, %slice3A_194 : vector<64x128xf32>
        %slice3A_196 = vector.extract_strided_slice %exp23A {offsets = [0, 1920], sizes = [64, 128], strides = [1, 1]} : vector<64x2048xf32> to vector<64x128xf32>
        %add3A_197 = arith.addf %add3A_195, %slice3A_196 : vector<64x128xf32>
        scf.yield %add3A_197 : vector<64x128xf32>
      }
      %scan3A_38 = arith.constant 25 : i32
      %slice3A = vector.extract_strided_slice %scan3A_37 {offsets = [0, 0], sizes = [64, 8], strides = [1, 1]} : vector<64x128xf32> to vector<64x8xf32>
      %slice3A_39 = vector.extract_strided_slice %scan3A_37 {offsets = [0, 8], sizes = [64, 8], strides = [1, 1]} : vector<64x128xf32> to vector<64x8xf32>
      %add3A_40 = arith.addf %slice3A, %slice3A_39 : vector<64x8xf32>
      %slice3A_41 = vector.extract_strided_slice %scan3A_37 {offsets = [0, 16], sizes = [64, 8], strides = [1, 1]} : vector<64x128xf32> to vector<64x8xf32>
      %add3A_42 = arith.addf %add3A_40, %slice3A_41 : vector<64x8xf32>
      %slice3A_43 = vector.extract_strided_slice %scan3A_37 {offsets = [0, 24], sizes = [64, 8], strides = [1, 1]} : vector<64x128xf32> to vector<64x8xf32>
      %add3A_44 = arith.addf %add3A_42, %slice3A_43 : vector<64x8xf32>
      %slice3A_45 = vector.extract_strided_slice %scan3A_37 {offsets = [0, 32], sizes = [64, 8], strides = [1, 1]} : vector<64x128xf32> to vector<64x8xf32>
      %add3A_46 = arith.addf %add3A_44, %slice3A_45 : vector<64x8xf32>
      %slice3A_47 = vector.extract_strided_slice %scan3A_37 {offsets = [0, 40], sizes = [64, 8], strides = [1, 1]} : vector<64x128xf32> to vector<64x8xf32>
      %add3A_48 = arith.addf %add3A_46, %slice3A_47 : vector<64x8xf32>
      %slice3A_49 = vector.extract_strided_slice %scan3A_37 {offsets = [0, 48], sizes = [64, 8], strides = [1, 1]} : vector<64x128xf32> to vector<64x8xf32>
      %add3A_50 = arith.addf %add3A_48, %slice3A_49 : vector<64x8xf32>
      %slice3A_51 = vector.extract_strided_slice %scan3A_37 {offsets = [0, 56], sizes = [64, 8], strides = [1, 1]} : vector<64x128xf32> to vector<64x8xf32>
      %add3A_52 = arith.addf %add3A_50, %slice3A_51 : vector<64x8xf32>
      %slice3A_53 = vector.extract_strided_slice %scan3A_37 {offsets = [0, 64], sizes = [64, 8], strides = [1, 1]} : vector<64x128xf32> to vector<64x8xf32>
      %add3A_54 = arith.addf %add3A_52, %slice3A_53 : vector<64x8xf32>
      %slice3A_55 = vector.extract_strided_slice %scan3A_37 {offsets = [0, 72], sizes = [64, 8], strides = [1, 1]} : vector<64x128xf32> to vector<64x8xf32>
      %add3A_56 = arith.addf %add3A_54, %slice3A_55 : vector<64x8xf32>
      %slice3A_57 = vector.extract_strided_slice %scan3A_37 {offsets = [0, 80], sizes = [64, 8], strides = [1, 1]} : vector<64x128xf32> to vector<64x8xf32>
      %add3A_58 = arith.addf %add3A_56, %slice3A_57 : vector<64x8xf32>
      %slice3A_59 = vector.extract_strided_slice %scan3A_37 {offsets = [0, 88], sizes = [64, 8], strides = [1, 1]} : vector<64x128xf32> to vector<64x8xf32>
      %add3A_60 = arith.addf %add3A_58, %slice3A_59 : vector<64x8xf32>
      %slice3A_61 = vector.extract_strided_slice %scan3A_37 {offsets = [0, 96], sizes = [64, 8], strides = [1, 1]} : vector<64x128xf32> to vector<64x8xf32>
      %add3A_62 = arith.addf %add3A_60, %slice3A_61 : vector<64x8xf32>
      %slice3A_63 = vector.extract_strided_slice %scan3A_37 {offsets = [0, 104], sizes = [64, 8], strides = [1, 1]} : vector<64x128xf32> to vector<64x8xf32>
      %add3A_64 = arith.addf %add3A_62, %slice3A_63 : vector<64x8xf32>
      %slice3A_65 = vector.extract_strided_slice %scan3A_37 {offsets = [0, 112], sizes = [64, 8], strides = [1, 1]} : vector<64x128xf32> to vector<64x8xf32>
      %add3A_66 = arith.addf %add3A_64, %slice3A_65 : vector<64x8xf32>
      %slice3A_67 = vector.extract_strided_slice %scan3A_37 {offsets = [0, 120], sizes = [64, 8], strides = [1, 1]} : vector<64x128xf32> to vector<64x8xf32>
      %add3A_68 = arith.addf %add3A_66, %slice3A_67 : vector<64x8xf32>
      %slice3A_69 = vector.extract_strided_slice %add3A_68 {offsets = [0, 0], sizes = [64, 4], strides = [1, 1]} : vector<64x8xf32> to vector<64x4xf32>
      %slice3A_70 = vector.extract_strided_slice %add3A_68 {offsets = [0, 4], sizes = [64, 4], strides = [1, 1]} : vector<64x8xf32> to vector<64x4xf32>
      %add3A_71 = arith.addf %slice3A_69, %slice3A_70 : vector<64x4xf32>
      %slice3A_72 = vector.extract_strided_slice %add3A_71 {offsets = [0, 0], sizes = [64, 2], strides = [1, 1]} : vector<64x4xf32> to vector<64x2xf32>
      %slice3A_73 = vector.extract_strided_slice %add3A_71 {offsets = [0, 2], sizes = [64, 2], strides = [1, 1]} : vector<64x4xf32> to vector<64x2xf32>
      %add3A_74 = arith.addf %slice3A_72, %slice3A_73 : vector<64x2xf32>
      %slice3A_75 = vector.extract_strided_slice %add3A_74 {offsets = [0, 0], sizes = [64, 1], strides = [1, 1]} : vector<64x2xf32> to vector<64x1xf32>
      %slice3A_76 = vector.extract_strided_slice %add3A_74 {offsets = [0, 1], sizes = [64, 1], strides = [1, 1]} : vector<64x2xf32> to vector<64x1xf32>
      %add3A_77 = arith.addf %slice3A_75, %slice3A_76 : vector<64x1xf32>
      %reciprocal3A = tpu.reciprocal %add3A_77 {approx = true} : vector<64x1xf32> -> vector<64x1xf32>
      %iota3A_78 = tpu.iota {dimensions = array<i32: 1>} : vector<64x50xi32>
      %iota3A_79 = tpu.iota {dimensions = array<i32: 1>} : vector<64x32xi32>
      %scan3A_80 = arith.constant 0xFF800000 : f32
      %scan3A_81 = arith.constant 0 : i32
      %scan3A_82 = arith.constant 25 : i32
      %scan3A_83 = arith.addi %scan3A_81, %scan3A_82 : i32
      %scan3A_84 = arith.constant 1 : i32
      scf.for %scan3A_150 = %scan3A_81 to %scan3A_83 step %scan3A_84  : i32 {
        %mul3A_151 = arith.constant 2048 : i32
        %mul3A_152 = arith.muli %scan3A_150, %mul3A_151 : i32
        %add3A_153 = vector.broadcast %mul3A_152 : i32 to vector<64x2048xi32>
        %add3A_154 = arith.addi %iota3A, %add3A_153 : vector<64x2048xi32>
        %lt3A_155 = arith.constant 50257 : i32
        %lt3A_156 = vector.broadcast %lt3A_155 : i32 to vector<64x2048xi32>
        %lt3A_157 = arith.cmpi slt, %add3A_154, %lt3A_156 : vector<64x2048xi32>
        %get3A_158 = arith.index_cast %scan3A_150 : i32 to index
        %get3A_159 = arith.constant 0 : index
        %get3A_160 = arith.constant 0 : index
        %get3A_161 = vector.load %arg7[%get3A_158, %get3A_159, %get3A_160] : memref<25x64x2048xf32, #tpu.memory_space<vmem>>, vector<1x64x2048xf32>
        %get3A_162 = vector.shape_cast %get3A_161 : vector<1x64x2048xf32> to vector<64x2048xf32>
        %mul3A_163 = vector.broadcast %reciprocal3A : vector<64x1xf32> to vector<64x2048xf32>
        %mul3A_164 = arith.mulf %get3A_162, %mul3A_163 : vector<64x2048xf32>
        %jit3A_165 = arith.constant -1.000000e+00 : f32
        %broadcast_in_dim3A_166 = vector.broadcast %jit3A_165 : f32 to vector<64x2048xf32>
        %select_n3A_167 = arith.select %lt3A_157, %mul3A_164, %broadcast_in_dim3A_166 : vector<64x2048xi1>, vector<64x2048xf32>
        %swap3A_168 = arith.index_cast %scan3A_150 : i32 to index
        %swap3A_169 = arith.constant 0 : index
        %swap3A_170 = arith.constant 0 : index
        %swap3A_171 = vector.load %arg7[%swap3A_168, %swap3A_169, %swap3A_170] : memref<25x64x2048xf32, #tpu.memory_space<vmem>>, vector<1x64x2048xf32>
        %swap3A_172 = vector.shape_cast %swap3A_171 : vector<1x64x2048xf32> to vector<64x2048xf32>
        %swap3A_173 = vector.shape_cast %select_n3A_167 : vector<64x2048xf32> to vector<1x64x2048xf32>
        tpu.vector_store %arg7[%swap3A_168, %swap3A_169, %swap3A_170], %swap3A_173 {strides = array<i32>} : memref<25x64x2048xf32, #tpu.memory_space<vmem>>, vector<1x64x2048xf32>,
        %eq3A_174 = vector.broadcast %scan3A_150 : i32 to vector<64x32xi32>
        %eq3A_175 = arith.cmpi eq, %iota3A_79, %eq3A_174 : vector<64x32xi32>
        %reduce_max3A_176 = arith.constant dense<0xFF800000> : vector<64xf32>
        %reduce_max3A_177 = vector.multi_reduction <maximumf>, %select_n3A_167, %reduce_max3A_176 [1] : vector<64x2048xf32> to vector<64xf32>
        %broadcast_in_dim3A_178 = vector.shape_cast %reduce_max3A_177 : vector<64xf32> to vector<64x1xf32>
        %eq3A_179 = vector.broadcast %broadcast_in_dim3A_178 : vector<64x1xf32> to vector<64x2048xf32>
        %eq3A_180 = arith.cmpf oeq, %select_n3A_167, %eq3A_179 : vector<64x2048xf32>
        %jit3A_181 = arith.constant 2048 : i32
        %broadcast_in_dim3A_182 = vector.broadcast %jit3A_181 : i32 to vector<64x2048xi32>
        %select_n3A_183 = arith.select %eq3A_180, %iota3A, %broadcast_in_dim3A_182 : vector<64x2048xi1>, vector<64x2048xi32>
        %reduce_min3A_184 = arith.constant dense<2147483647> : vector<64xi32>
        %reduce_min3A_185 = vector.multi_reduction <minsi>, %select_n3A_183, %reduce_min3A_184 [1] : vector<64x2048xi32> to vector<64xi32>
        %broadcast_in_dim3A_186 = vector.shape_cast %reduce_min3A_185 : vector<64xi32> to vector<64x1xi32>
        %mul3A_187 = arith.constant 2048 : i32
        %mul3A_188 = arith.muli %scan3A_150, %mul3A_187 : i32
        %add3A_189 = vector.broadcast %mul3A_188 : i32 to vector<64x1xi32>
        %add3A_190 = arith.addi %broadcast_in_dim3A_186, %add3A_189 : vector<64x1xi32>
        %get3A_191 = arith.constant 0 : index
        %get3A_192 = arith.constant 0 : index
        %get3A_193 = arith.constant 0 : index
        %get3A_194 = vector.load %arg9[%get3A_191, %get3A_192, %get3A_193] : memref<12x64x32xf32, #tpu.memory_space<vmem>>, vector<1x64x32xf32>
        %get3A_195 = vector.shape_cast %get3A_194 : vector<1x64x32xf32> to vector<64x32xf32>
        %broadcast_in_dim3A_196 = vector.shape_cast %broadcast_in_dim3A_178 : vector<64x1xf32> to vector<64x1xf32>
        %broadcast_in_dim3A_197 = vector.broadcast %broadcast_in_dim3A_196 : vector<64x1xf32> to vector<64x32xf32>
        %select_n3A_198 = arith.select %eq3A_175, %broadcast_in_dim3A_197, %get3A_195 : vector<64x32xi1>, vector<64x32xf32>
        %swap3A_199 = arith.constant 0 : index
        %swap3A_200 = arith.constant 0 : index
        %swap3A_201 = arith.constant 0 : index
        %swap3A_202 = vector.load %arg9[%swap3A_199, %swap3A_200, %swap3A_201] : memref<12x64x32xf32, #tpu.memory_space<vmem>>, vector<1x64x32xf32>
        %swap3A_203 = vector.shape_cast %swap3A_202 : vector<1x64x32xf32> to vector<64x32xf32>
        %swap3A_204 = vector.shape_cast %select_n3A_198 : vector<64x32xf32> to vector<1x64x32xf32>
        tpu.vector_store %arg9[%swap3A_199, %swap3A_200, %swap3A_201], %swap3A_204 {strides = array<i32>} : memref<12x64x32xf32, #tpu.memory_space<vmem>>, vector<1x64x32xf32>,
        %get3A_205 = arith.constant 0 : index
        %get3A_206 = arith.constant 0 : index
        %get3A_207 = arith.constant 0 : index
        %get3A_208 = vector.load %arg10[%get3A_205, %get3A_206, %get3A_207] : memref<12x64x32xi32, #tpu.memory_space<vmem>>, vector<1x64x32xi32>
        %get3A_209 = vector.shape_cast %get3A_208 : vector<1x64x32xi32> to vector<64x32xi32>
        %broadcast_in_dim3A_210 = vector.shape_cast %add3A_190 : vector<64x1xi32> to vector<64x1xi32>
        %broadcast_in_dim3A_211 = vector.broadcast %broadcast_in_dim3A_210 : vector<64x1xi32> to vector<64x32xi32>
        %select_n3A_212 = arith.select %eq3A_175, %broadcast_in_dim3A_211, %get3A_209 : vector<64x32xi1>, vector<64x32xi32>
        %swap3A_213 = arith.constant 0 : index
        %swap3A_214 = arith.constant 0 : index
        %swap3A_215 = arith.constant 0 : index
        %swap3A_216 = vector.load %arg10[%swap3A_213, %swap3A_214, %swap3A_215] : memref<12x64x32xi32, #tpu.memory_space<vmem>>, vector<1x64x32xi32>
        %swap3A_217 = vector.shape_cast %swap3A_216 : vector<1x64x32xi32> to vector<64x32xi32>
        %swap3A_218 = vector.shape_cast %select_n3A_212 : vector<64x32xi32> to vector<1x64x32xi32>
        tpu.vector_store %arg10[%swap3A_213, %swap3A_214, %swap3A_215], %swap3A_218 {strides = array<i32>} : memref<12x64x32xi32, #tpu.memory_space<vmem>>, vector<1x64x32xi32>,
        %eq3A_219 = vector.broadcast %broadcast_in_dim3A_186 : vector<64x1xi32> to vector<64x2048xi32>
        %eq3A_220 = arith.cmpi eq, %iota3A, %eq3A_219 : vector<64x2048xi32>
        %broadcast_in_dim3A_221 = vector.broadcast %scan3A_80 : f32 to vector<64x2048xf32>
        %select_n3A_222 = arith.select %eq3A_220, %broadcast_in_dim3A_221, %select_n3A_167 : vector<64x2048xi1>, vector<64x2048xf32>
        %reduce_max3A_223 = arith.constant dense<0xFF800000> : vector<64xf32>
        %reduce_max3A_224 = vector.multi_reduction <maximumf>, %select_n3A_222, %reduce_max3A_223 [1] : vector<64x2048xf32> to vector<64xf32>
        %broadcast_in_dim3A_225 = vector.shape_cast %reduce_max3A_224 : vector<64xf32> to vector<64x1xf32>
        %eq3A_226 = vector.broadcast %broadcast_in_dim3A_225 : vector<64x1xf32> to vector<64x2048xf32>
        %eq3A_227 = arith.cmpf oeq, %select_n3A_222, %eq3A_226 : vector<64x2048xf32>
        %jit3A_228 = arith.constant 2048 : i32
        %broadcast_in_dim3A_229 = vector.broadcast %jit3A_228 : i32 to vector<64x2048xi32>
        %select_n3A_230 = arith.select %eq3A_227, %iota3A, %broadcast_in_dim3A_229 : vector<64x2048xi1>, vector<64x2048xi32>
        %reduce_min3A_231 = arith.constant dense<2147483647> : vector<64xi32>
        %reduce_min3A_232 = vector.multi_reduction <minsi>, %select_n3A_230, %reduce_min3A_231 [1] : vector<64x2048xi32> to vector<64xi32>
        %broadcast_in_dim3A_233 = vector.shape_cast %reduce_min3A_232 : vector<64xi32> to vector<64x1xi32>
        %mul3A_234 = arith.constant 2048 : i32
        %mul3A_235 = arith.muli %scan3A_150, %mul3A_234 : i32
        %add3A_236 = vector.broadcast %mul3A_235 : i32 to vector<64x1xi32>
        %add3A_237 = arith.addi %broadcast_in_dim3A_233, %add3A_236 : vector<64x1xi32>
        %get3A_238 = arith.constant 1 : index
        %get3A_239 = arith.constant 0 : index
        %get3A_240 = arith.constant 0 : index
        %get3A_241 = vector.load %arg9[%get3A_238, %get3A_239, %get3A_240] : memref<12x64x32xf32, #tpu.memory_space<vmem>>, vector<1x64x32xf32>
        %get3A_242 = vector.shape_cast %get3A_241 : vector<1x64x32xf32> to vector<64x32xf32>
        %broadcast_in_dim3A_243 = vector.shape_cast %broadcast_in_dim3A_225 : vector<64x1xf32> to vector<64x1xf32>
        %broadcast_in_dim3A_244 = vector.broadcast %broadcast_in_dim3A_243 : vector<64x1xf32> to vector<64x32xf32>
        %select_n3A_245 = arith.select %eq3A_175, %broadcast_in_dim3A_244, %get3A_242 : vector<64x32xi1>, vector<64x32xf32>
        %swap3A_246 = arith.constant 1 : index
        %swap3A_247 = arith.constant 0 : index
        %swap3A_248 = arith.constant 0 : index
        %swap3A_249 = vector.load %arg9[%swap3A_246, %swap3A_247, %swap3A_248] : memref<12x64x32xf32, #tpu.memory_space<vmem>>, vector<1x64x32xf32>
        %swap3A_250 = vector.shape_cast %swap3A_249 : vector<1x64x32xf32> to vector<64x32xf32>
        %swap3A_251 = vector.shape_cast %select_n3A_245 : vector<64x32xf32> to vector<1x64x32xf32>
        tpu.vector_store %arg9[%swap3A_246, %swap3A_247, %swap3A_248], %swap3A_251 {strides = array<i32>} : memref<12x64x32xf32, #tpu.memory_space<vmem>>, vector<1x64x32xf32>,
        %get3A_252 = arith.constant 1 : index
        %get3A_253 = arith.constant 0 : index
        %get3A_254 = arith.constant 0 : index
        %get3A_255 = vector.load %arg10[%get3A_252, %get3A_253, %get3A_254] : memref<12x64x32xi32, #tpu.memory_space<vmem>>, vector<1x64x32xi32>
        %get3A_256 = vector.shape_cast %get3A_255 : vector<1x64x32xi32> to vector<64x32xi32>
        %broadcast_in_dim3A_257 = vector.shape_cast %add3A_237 : vector<64x1xi32> to vector<64x1xi32>
        %broadcast_in_dim3A_258 = vector.broadcast %broadcast_in_dim3A_257 : vector<64x1xi32> to vector<64x32xi32>
        %select_n3A_259 = arith.select %eq3A_175, %broadcast_in_dim3A_258, %get3A_256 : vector<64x32xi1>, vector<64x32xi32>
        %swap3A_260 = arith.constant 1 : index
        %swap3A_261 = arith.constant 0 : index
        %swap3A_262 = arith.constant 0 : index
        %swap3A_263 = vector.load %arg10[%swap3A_260, %swap3A_261, %swap3A_262] : memref<12x64x32xi32, #tpu.memory_space<vmem>>, vector<1x64x32xi32>
        %swap3A_264 = vector.shape_cast %swap3A_263 : vector<1x64x32xi32> to vector<64x32xi32>
        %swap3A_265 = vector.shape_cast %select_n3A_259 : vector<64x32xi32> to vector<1x64x32xi32>
        tpu.vector_store %arg10[%swap3A_260, %swap3A_261, %swap3A_262], %swap3A_265 {strides = array<i32>} : memref<12x64x32xi32, #tpu.memory_space<vmem>>, vector<1x64x32xi32>,
        %eq3A_266 = vector.broadcast %broadcast_in_dim3A_233 : vector<64x1xi32> to vector<64x2048xi32>
        %eq3A_267 = arith.cmpi eq, %iota3A, %eq3A_266 : vector<64x2048xi32>
        %broadcast_in_dim3A_268 = vector.broadcast %scan3A_80 : f32 to vector<64x2048xf32>
        %select_n3A_269 = arith.select %eq3A_267, %broadcast_in_dim3A_268, %select_n3A_222 : vector<64x2048xi1>, vector<64x2048xf32>
        %reduce_max3A_270 = arith.constant dense<0xFF800000> : vector<64xf32>
        %reduce_max3A_271 = vector.multi_reduction <maximumf>, %select_n3A_269, %reduce_max3A_270 [1] : vector<64x2048xf32> to vector<64xf32>
        %broadcast_in_dim3A_272 = vector.shape_cast %reduce_max3A_271 : vector<64xf32> to vector<64x1xf32>
        %eq3A_273 = vector.broadcast %broadcast_in_dim3A_272 : vector<64x1xf32> to vector<64x2048xf32>
        %eq3A_274 = arith.cmpf oeq, %select_n3A_269, %eq3A_273 : vector<64x2048xf32>
        %jit3A_275 = arith.constant 2048 : i32
        %broadcast_in_dim3A_276 = vector.broadcast %jit3A_275 : i32 to vector<64x2048xi32>
        %select_n3A_277 = arith.select %eq3A_274, %iota3A, %broadcast_in_dim3A_276 : vector<64x2048xi1>, vector<64x2048xi32>
        %reduce_min3A_278 = arith.constant dense<2147483647> : vector<64xi32>
        %reduce_min3A_279 = vector.multi_reduction <minsi>, %select_n3A_277, %reduce_min3A_278 [1] : vector<64x2048xi32> to vector<64xi32>
        %broadcast_in_dim3A_280 = vector.shape_cast %reduce_min3A_279 : vector<64xi32> to vector<64x1xi32>
        %mul3A_281 = arith.constant 2048 : i32
        %mul3A_282 = arith.muli %scan3A_150, %mul3A_281 : i32
        %add3A_283 = vector.broadcast %mul3A_282 : i32 to vector<64x1xi32>
        %add3A_284 = arith.addi %broadcast_in_dim3A_280, %add3A_283 : vector<64x1xi32>
        %get3A_285 = arith.constant 2 : index
        %get3A_286 = arith.constant 0 : index
        %get3A_287 = arith.constant 0 : index
        %get3A_288 = vector.load %arg9[%get3A_285, %get3A_286, %get3A_287] : memref<12x64x32xf32, #tpu.memory_space<vmem>>, vector<1x64x32xf32>
        %get3A_289 = vector.shape_cast %get3A_288 : vector<1x64x32xf32> to vector<64x32xf32>
        %broadcast_in_dim3A_290 = vector.shape_cast %broadcast_in_dim3A_272 : vector<64x1xf32> to vector<64x1xf32>
        %broadcast_in_dim3A_291 = vector.broadcast %broadcast_in_dim3A_290 : vector<64x1xf32> to vector<64x32xf32>
        %select_n3A_292 = arith.select %eq3A_175, %broadcast_in_dim3A_291, %get3A_289 : vector<64x32xi1>, vector<64x32xf32>
        %swap3A_293 = arith.constant 2 : index
        %swap3A_294 = arith.constant 0 : index
        %swap3A_295 = arith.constant 0 : index
        %swap3A_296 = vector.load %arg9[%swap3A_293, %swap3A_294, %swap3A_295] : memref<12x64x32xf32, #tpu.memory_space<vmem>>, vector<1x64x32xf32>
        %swap3A_297 = vector.shape_cast %swap3A_296 : vector<1x64x32xf32> to vector<64x32xf32>
        %swap3A_298 = vector.shape_cast %select_n3A_292 : vector<64x32xf32> to vector<1x64x32xf32>
        tpu.vector_store %arg9[%swap3A_293, %swap3A_294, %swap3A_295], %swap3A_298 {strides = array<i32>} : memref<12x64x32xf32, #tpu.memory_space<vmem>>, vector<1x64x32xf32>,
        %get3A_299 = arith.constant 2 : index
        %get3A_300 = arith.constant 0 : index
        %get3A_301 = arith.constant 0 : index
        %get3A_302 = vector.load %arg10[%get3A_299, %get3A_300, %get3A_301] : memref<12x64x32xi32, #tpu.memory_space<vmem>>, vector<1x64x32xi32>
        %get3A_303 = vector.shape_cast %get3A_302 : vector<1x64x32xi32> to vector<64x32xi32>
        %broadcast_in_dim3A_304 = vector.shape_cast %add3A_284 : vector<64x1xi32> to vector<64x1xi32>
        %broadcast_in_dim3A_305 = vector.broadcast %broadcast_in_dim3A_304 : vector<64x1xi32> to vector<64x32xi32>
        %select_n3A_306 = arith.select %eq3A_175, %broadcast_in_dim3A_305, %get3A_303 : vector<64x32xi1>, vector<64x32xi32>
        %swap3A_307 = arith.constant 2 : index
        %swap3A_308 = arith.constant 0 : index
        %swap3A_309 = arith.constant 0 : index
        %swap3A_310 = vector.load %arg10[%swap3A_307, %swap3A_308, %swap3A_309] : memref<12x64x32xi32, #tpu.memory_space<vmem>>, vector<1x64x32xi32>
        %swap3A_311 = vector.shape_cast %swap3A_310 : vector<1x64x32xi32> to vector<64x32xi32>
        %swap3A_312 = vector.shape_cast %select_n3A_306 : vector<64x32xi32> to vector<1x64x32xi32>
        tpu.vector_store %arg10[%swap3A_307, %swap3A_308, %swap3A_309], %swap3A_312 {strides = array<i32>} : memref<12x64x32xi32, #tpu.memory_space<vmem>>, vector<1x64x32xi32>,
        %eq3A_313 = vector.broadcast %broadcast_in_dim3A_280 : vector<64x1xi32> to vector<64x2048xi32>
        %eq3A_314 = arith.cmpi eq, %iota3A, %eq3A_313 : vector<64x2048xi32>
        %broadcast_in_dim3A_315 = vector.broadcast %scan3A_80 : f32 to vector<64x2048xf32>
        %select_n3A_316 = arith.select %eq3A_314, %broadcast_in_dim3A_315, %select_n3A_269 : vector<64x2048xi1>, vector<64x2048xf32>
        %reduce_max3A_317 = arith.constant dense<0xFF800000> : vector<64xf32>
        %reduce_max3A_318 = vector.multi_reduction <maximumf>, %select_n3A_316, %reduce_max3A_317 [1] : vector<64x2048xf32> to vector<64xf32>
        %broadcast_in_dim3A_319 = vector.shape_cast %reduce_max3A_318 : vector<64xf32> to vector<64x1xf32>
        %eq3A_320 = vector.broadcast %broadcast_in_dim3A_319 : vector<64x1xf32> to vector<64x2048xf32>
        %eq3A_321 = arith.cmpf oeq, %select_n3A_316, %eq3A_320 : vector<64x2048xf32>
        %jit3A_322 = arith.constant 2048 : i32
        %broadcast_in_dim3A_323 = vector.broadcast %jit3A_322 : i32 to vector<64x2048xi32>
        %select_n3A_324 = arith.select %eq3A_321, %iota3A, %broadcast_in_dim3A_323 : vector<64x2048xi1>, vector<64x2048xi32>
        %reduce_min3A_325 = arith.constant dense<2147483647> : vector<64xi32>
        %reduce_min3A_326 = vector.multi_reduction <minsi>, %select_n3A_324, %reduce_min3A_325 [1] : vector<64x2048xi32> to vector<64xi32>
        %broadcast_in_dim3A_327 = vector.shape_cast %reduce_min3A_326 : vector<64xi32> to vector<64x1xi32>
        %mul3A_328 = arith.constant 2048 : i32
        %mul3A_329 = arith.muli %scan3A_150, %mul3A_328 : i32
        %add3A_330 = vector.broadcast %mul3A_329 : i32 to vector<64x1xi32>
        %add3A_331 = arith.addi %broadcast_in_dim3A_327, %add3A_330 : vector<64x1xi32>
        %get3A_332 = arith.constant 3 : index
        %get3A_333 = arith.constant 0 : index
        %get3A_334 = arith.constant 0 : index
        %get3A_335 = vector.load %arg9[%get3A_332, %get3A_333, %get3A_334] : memref<12x64x32xf32, #tpu.memory_space<vmem>>, vector<1x64x32xf32>
        %get3A_336 = vector.shape_cast %get3A_335 : vector<1x64x32xf32> to vector<64x32xf32>
        %broadcast_in_dim3A_337 = vector.shape_cast %broadcast_in_dim3A_319 : vector<64x1xf32> to vector<64x1xf32>
        %broadcast_in_dim3A_338 = vector.broadcast %broadcast_in_dim3A_337 : vector<64x1xf32> to vector<64x32xf32>
        %select_n3A_339 = arith.select %eq3A_175, %broadcast_in_dim3A_338, %get3A_336 : vector<64x32xi1>, vector<64x32xf32>
        %swap3A_340 = arith.constant 3 : index
        %swap3A_341 = arith.constant 0 : index
        %swap3A_342 = arith.constant 0 : index
        %swap3A_343 = vector.load %arg9[%swap3A_340, %swap3A_341, %swap3A_342] : memref<12x64x32xf32, #tpu.memory_space<vmem>>, vector<1x64x32xf32>
        %swap3A_344 = vector.shape_cast %swap3A_343 : vector<1x64x32xf32> to vector<64x32xf32>
        %swap3A_345 = vector.shape_cast %select_n3A_339 : vector<64x32xf32> to vector<1x64x32xf32>
        tpu.vector_store %arg9[%swap3A_340, %swap3A_341, %swap3A_342], %swap3A_345 {strides = array<i32>} : memref<12x64x32xf32, #tpu.memory_space<vmem>>, vector<1x64x32xf32>,
        %get3A_346 = arith.constant 3 : index
        %get3A_347 = arith.constant 0 : index
        %get3A_348 = arith.constant 0 : index
        %get3A_349 = vector.load %arg10[%get3A_346, %get3A_347, %get3A_348] : memref<12x64x32xi32, #tpu.memory_space<vmem>>, vector<1x64x32xi32>
        %get3A_350 = vector.shape_cast %get3A_349 : vector<1x64x32xi32> to vector<64x32xi32>
        %broadcast_in_dim3A_351 = vector.shape_cast %add3A_331 : vector<64x1xi32> to vector<64x1xi32>
        %broadcast_in_dim3A_352 = vector.broadcast %broadcast_in_dim3A_351 : vector<64x1xi32> to vector<64x32xi32>
        %select_n3A_353 = arith.select %eq3A_175, %broadcast_in_dim3A_352, %get3A_350 : vector<64x32xi1>, vector<64x32xi32>
        %swap3A_354 = arith.constant 3 : index
        %swap3A_355 = arith.constant 0 : index
        %swap3A_356 = arith.constant 0 : index
        %swap3A_357 = vector.load %arg10[%swap3A_354, %swap3A_355, %swap3A_356] : memref<12x64x32xi32, #tpu.memory_space<vmem>>, vector<1x64x32xi32>
        %swap3A_358 = vector.shape_cast %swap3A_357 : vector<1x64x32xi32> to vector<64x32xi32>
        %swap3A_359 = vector.shape_cast %select_n3A_353 : vector<64x32xi32> to vector<1x64x32xi32>
        tpu.vector_store %arg10[%swap3A_354, %swap3A_355, %swap3A_356], %swap3A_359 {strides = array<i32>} : memref<12x64x32xi32, #tpu.memory_space<vmem>>, vector<1x64x32xi32>,
        %eq3A_360 = vector.broadcast %broadcast_in_dim3A_327 : vector<64x1xi32> to vector<64x2048xi32>
        %eq3A_361 = arith.cmpi eq, %iota3A, %eq3A_360 : vector<64x2048xi32>
        %broadcast_in_dim3A_362 = vector.broadcast %scan3A_80 : f32 to vector<64x2048xf32>
        %select_n3A_363 = arith.select %eq3A_361, %broadcast_in_dim3A_362, %select_n3A_316 : vector<64x2048xi1>, vector<64x2048xf32>
        %reduce_max3A_364 = arith.constant dense<0xFF800000> : vector<64xf32>
        %reduce_max3A_365 = vector.multi_reduction <maximumf>, %select_n3A_363, %reduce_max3A_364 [1] : vector<64x2048xf32> to vector<64xf32>
        %broadcast_in_dim3A_366 = vector.shape_cast %reduce_max3A_365 : vector<64xf32> to vector<64x1xf32>
        %eq3A_367 = vector.broadcast %broadcast_in_dim3A_366 : vector<64x1xf32> to vector<64x2048xf32>
        %eq3A_368 = arith.cmpf oeq, %select_n3A_363, %eq3A_367 : vector<64x2048xf32>
        %jit3A_369 = arith.constant 2048 : i32
        %broadcast_in_dim3A_370 = vector.broadcast %jit3A_369 : i32 to vector<64x2048xi32>
        %select_n3A_371 = arith.select %eq3A_368, %iota3A, %broadcast_in_dim3A_370 : vector<64x2048xi1>, vector<64x2048xi32>
        %reduce_min3A_372 = arith.constant dense<2147483647> : vector<64xi32>
        %reduce_min3A_373 = vector.multi_reduction <minsi>, %select_n3A_371, %reduce_min3A_372 [1] : vector<64x2048xi32> to vector<64xi32>
        %broadcast_in_dim3A_374 = vector.shape_cast %reduce_min3A_373 : vector<64xi32> to vector<64x1xi32>
        %mul3A_375 = arith.constant 2048 : i32
        %mul3A_376 = arith.muli %scan3A_150, %mul3A_375 : i32
        %add3A_377 = vector.broadcast %mul3A_376 : i32 to vector<64x1xi32>
        %add3A_378 = arith.addi %broadcast_in_dim3A_374, %add3A_377 : vector<64x1xi32>
        %get3A_379 = arith.constant 4 : index
        %get3A_380 = arith.constant 0 : index
        %get3A_381 = arith.constant 0 : index
        %get3A_382 = vector.load %arg9[%get3A_379, %get3A_380, %get3A_381] : memref<12x64x32xf32, #tpu.memory_space<vmem>>, vector<1x64x32xf32>
        %get3A_383 = vector.shape_cast %get3A_382 : vector<1x64x32xf32> to vector<64x32xf32>
        %broadcast_in_dim3A_384 = vector.shape_cast %broadcast_in_dim3A_366 : vector<64x1xf32> to vector<64x1xf32>
        %broadcast_in_dim3A_385 = vector.broadcast %broadcast_in_dim3A_384 : vector<64x1xf32> to vector<64x32xf32>
        %select_n3A_386 = arith.select %eq3A_175, %broadcast_in_dim3A_385, %get3A_383 : vector<64x32xi1>, vector<64x32xf32>
        %swap3A_387 = arith.constant 4 : index
        %swap3A_388 = arith.constant 0 : index
        %swap3A_389 = arith.constant 0 : index
        %swap3A_390 = vector.load %arg9[%swap3A_387, %swap3A_388, %swap3A_389] : memref<12x64x32xf32, #tpu.memory_space<vmem>>, vector<1x64x32xf32>
        %swap3A_391 = vector.shape_cast %swap3A_390 : vector<1x64x32xf32> to vector<64x32xf32>
        %swap3A_392 = vector.shape_cast %select_n3A_386 : vector<64x32xf32> to vector<1x64x32xf32>
        tpu.vector_store %arg9[%swap3A_387, %swap3A_388, %swap3A_389], %swap3A_392 {strides = array<i32>} : memref<12x64x32xf32, #tpu.memory_space<vmem>>, vector<1x64x32xf32>,
        %get3A_393 = arith.constant 4 : index
        %get3A_394 = arith.constant 0 : index
        %get3A_395 = arith.constant 0 : index
        %get3A_396 = vector.load %arg10[%get3A_393, %get3A_394, %get3A_395] : memref<12x64x32xi32, #tpu.memory_space<vmem>>, vector<1x64x32xi32>
        %get3A_397 = vector.shape_cast %get3A_396 : vector<1x64x32xi32> to vector<64x32xi32>
        %broadcast_in_dim3A_398 = vector.shape_cast %add3A_378 : vector<64x1xi32> to vector<64x1xi32>
        %broadcast_in_dim3A_399 = vector.broadcast %broadcast_in_dim3A_398 : vector<64x1xi32> to vector<64x32xi32>
        %select_n3A_400 = arith.select %eq3A_175, %broadcast_in_dim3A_399, %get3A_397 : vector<64x32xi1>, vector<64x32xi32>
        %swap3A_401 = arith.constant 4 : index
        %swap3A_402 = arith.constant 0 : index
        %swap3A_403 = arith.constant 0 : index
        %swap3A_404 = vector.load %arg10[%swap3A_401, %swap3A_402, %swap3A_403] : memref<12x64x32xi32, #tpu.memory_space<vmem>>, vector<1x64x32xi32>
        %swap3A_405 = vector.shape_cast %swap3A_404 : vector<1x64x32xi32> to vector<64x32xi32>
        %swap3A_406 = vector.shape_cast %select_n3A_400 : vector<64x32xi32> to vector<1x64x32xi32>
        tpu.vector_store %arg10[%swap3A_401, %swap3A_402, %swap3A_403], %swap3A_406 {strides = array<i32>} : memref<12x64x32xi32, #tpu.memory_space<vmem>>, vector<1x64x32xi32>,
        %eq3A_407 = vector.broadcast %broadcast_in_dim3A_374 : vector<64x1xi32> to vector<64x2048xi32>
        %eq3A_408 = arith.cmpi eq, %iota3A, %eq3A_407 : vector<64x2048xi32>
        %broadcast_in_dim3A_409 = vector.broadcast %scan3A_80 : f32 to vector<64x2048xf32>
        %select_n3A_410 = arith.select %eq3A_408, %broadcast_in_dim3A_409, %select_n3A_363 : vector<64x2048xi1>, vector<64x2048xf32>
        %reduce_max3A_411 = arith.constant dense<0xFF800000> : vector<64xf32>
        %reduce_max3A_412 = vector.multi_reduction <maximumf>, %select_n3A_410, %reduce_max3A_411 [1] : vector<64x2048xf32> to vector<64xf32>
        %broadcast_in_dim3A_413 = vector.shape_cast %reduce_max3A_412 : vector<64xf32> to vector<64x1xf32>
        %eq3A_414 = vector.broadcast %broadcast_in_dim3A_413 : vector<64x1xf32> to vector<64x2048xf32>
        %eq3A_415 = arith.cmpf oeq, %select_n3A_410, %eq3A_414 : vector<64x2048xf32>
        %jit3A_416 = arith.constant 2048 : i32
        %broadcast_in_dim3A_417 = vector.broadcast %jit3A_416 : i32 to vector<64x2048xi32>
        %select_n3A_418 = arith.select %eq3A_415, %iota3A, %broadcast_in_dim3A_417 : vector<64x2048xi1>, vector<64x2048xi32>
        %reduce_min3A_419 = arith.constant dense<2147483647> : vector<64xi32>
        %reduce_min3A_420 = vector.multi_reduction <minsi>, %select_n3A_418, %reduce_min3A_419 [1] : vector<64x2048xi32> to vector<64xi32>
        %broadcast_in_dim3A_421 = vector.shape_cast %reduce_min3A_420 : vector<64xi32> to vector<64x1xi32>
        %mul3A_422 = arith.constant 2048 : i32
        %mul3A_423 = arith.muli %scan3A_150, %mul3A_422 : i32
        %add3A_424 = vector.broadcast %mul3A_423 : i32 to vector<64x1xi32>
        %add3A_425 = arith.addi %broadcast_in_dim3A_421, %add3A_424 : vector<64x1xi32>
        %get3A_426 = arith.constant 5 : index
        %get3A_427 = arith.constant 0 : index
        %get3A_428 = arith.constant 0 : index
        %get3A_429 = vector.load %arg9[%get3A_426, %get3A_427, %get3A_428] : memref<12x64x32xf32, #tpu.memory_space<vmem>>, vector<1x64x32xf32>
        %get3A_430 = vector.shape_cast %get3A_429 : vector<1x64x32xf32> to vector<64x32xf32>
        %broadcast_in_dim3A_431 = vector.shape_cast %broadcast_in_dim3A_413 : vector<64x1xf32> to vector<64x1xf32>
        %broadcast_in_dim3A_432 = vector.broadcast %broadcast_in_dim3A_431 : vector<64x1xf32> to vector<64x32xf32>
        %select_n3A_433 = arith.select %eq3A_175, %broadcast_in_dim3A_432, %get3A_430 : vector<64x32xi1>, vector<64x32xf32>
        %swap3A_434 = arith.constant 5 : index
        %swap3A_435 = arith.constant 0 : index
        %swap3A_436 = arith.constant 0 : index
        %swap3A_437 = vector.load %arg9[%swap3A_434, %swap3A_435, %swap3A_436] : memref<12x64x32xf32, #tpu.memory_space<vmem>>, vector<1x64x32xf32>
        %swap3A_438 = vector.shape_cast %swap3A_437 : vector<1x64x32xf32> to vector<64x32xf32>
        %swap3A_439 = vector.shape_cast %select_n3A_433 : vector<64x32xf32> to vector<1x64x32xf32>
        tpu.vector_store %arg9[%swap3A_434, %swap3A_435, %swap3A_436], %swap3A_439 {strides = array<i32>} : memref<12x64x32xf32, #tpu.memory_space<vmem>>, vector<1x64x32xf32>,
        %get3A_440 = arith.constant 5 : index
        %get3A_441 = arith.constant 0 : index
        %get3A_442 = arith.constant 0 : index
        %get3A_443 = vector.load %arg10[%get3A_440, %get3A_441, %get3A_442] : memref<12x64x32xi32, #tpu.memory_space<vmem>>, vector<1x64x32xi32>
        %get3A_444 = vector.shape_cast %get3A_443 : vector<1x64x32xi32> to vector<64x32xi32>
        %broadcast_in_dim3A_445 = vector.shape_cast %add3A_425 : vector<64x1xi32> to vector<64x1xi32>
        %broadcast_in_dim3A_446 = vector.broadcast %broadcast_in_dim3A_445 : vector<64x1xi32> to vector<64x32xi32>
        %select_n3A_447 = arith.select %eq3A_175, %broadcast_in_dim3A_446, %get3A_444 : vector<64x32xi1>, vector<64x32xi32>
        %swap3A_448 = arith.constant 5 : index
        %swap3A_449 = arith.constant 0 : index
        %swap3A_450 = arith.constant 0 : index
        %swap3A_451 = vector.load %arg10[%swap3A_448, %swap3A_449, %swap3A_450] : memref<12x64x32xi32, #tpu.memory_space<vmem>>, vector<1x64x32xi32>
        %swap3A_452 = vector.shape_cast %swap3A_451 : vector<1x64x32xi32> to vector<64x32xi32>
        %swap3A_453 = vector.shape_cast %select_n3A_447 : vector<64x32xi32> to vector<1x64x32xi32>
        tpu.vector_store %arg10[%swap3A_448, %swap3A_449, %swap3A_450], %swap3A_453 {strides = array<i32>} : memref<12x64x32xi32, #tpu.memory_space<vmem>>, vector<1x64x32xi32>,
        %eq3A_454 = vector.broadcast %broadcast_in_dim3A_421 : vector<64x1xi32> to vector<64x2048xi32>
        %eq3A_455 = arith.cmpi eq, %iota3A, %eq3A_454 : vector<64x2048xi32>
        %broadcast_in_dim3A_456 = vector.broadcast %scan3A_80 : f32 to vector<64x2048xf32>
        %select_n3A_457 = arith.select %eq3A_455, %broadcast_in_dim3A_456, %select_n3A_410 : vector<64x2048xi1>, vector<64x2048xf32>
        %reduce_max3A_458 = arith.constant dense<0xFF800000> : vector<64xf32>
        %reduce_max3A_459 = vector.multi_reduction <maximumf>, %select_n3A_457, %reduce_max3A_458 [1] : vector<64x2048xf32> to vector<64xf32>
        %broadcast_in_dim3A_460 = vector.shape_cast %reduce_max3A_459 : vector<64xf32> to vector<64x1xf32>
        %eq3A_461 = vector.broadcast %broadcast_in_dim3A_460 : vector<64x1xf32> to vector<64x2048xf32>
        %eq3A_462 = arith.cmpf oeq, %select_n3A_457, %eq3A_461 : vector<64x2048xf32>
        %jit3A_463 = arith.constant 2048 : i32
        %broadcast_in_dim3A_464 = vector.broadcast %jit3A_463 : i32 to vector<64x2048xi32>
        %select_n3A_465 = arith.select %eq3A_462, %iota3A, %broadcast_in_dim3A_464 : vector<64x2048xi1>, vector<64x2048xi32>
        %reduce_min3A_466 = arith.constant dense<2147483647> : vector<64xi32>
        %reduce_min3A_467 = vector.multi_reduction <minsi>, %select_n3A_465, %reduce_min3A_466 [1] : vector<64x2048xi32> to vector<64xi32>
        %broadcast_in_dim3A_468 = vector.shape_cast %reduce_min3A_467 : vector<64xi32> to vector<64x1xi32>
        %mul3A_469 = arith.constant 2048 : i32
        %mul3A_470 = arith.muli %scan3A_150, %mul3A_469 : i32
        %add3A_471 = vector.broadcast %mul3A_470 : i32 to vector<64x1xi32>
        %add3A_472 = arith.addi %broadcast_in_dim3A_468, %add3A_471 : vector<64x1xi32>
        %get3A_473 = arith.constant 6 : index
        %get3A_474 = arith.constant 0 : index
        %get3A_475 = arith.constant 0 : index
        %get3A_476 = vector.load %arg9[%get3A_473, %get3A_474, %get3A_475] : memref<12x64x32xf32, #tpu.memory_space<vmem>>, vector<1x64x32xf32>
        %get3A_477 = vector.shape_cast %get3A_476 : vector<1x64x32xf32> to vector<64x32xf32>
        %broadcast_in_dim3A_478 = vector.shape_cast %broadcast_in_dim3A_460 : vector<64x1xf32> to vector<64x1xf32>
        %broadcast_in_dim3A_479 = vector.broadcast %broadcast_in_dim3A_478 : vector<64x1xf32> to vector<64x32xf32>
        %select_n3A_480 = arith.select %eq3A_175, %broadcast_in_dim3A_479, %get3A_477 : vector<64x32xi1>, vector<64x32xf32>
        %swap3A_481 = arith.constant 6 : index
        %swap3A_482 = arith.constant 0 : index
        %swap3A_483 = arith.constant 0 : index
        %swap3A_484 = vector.load %arg9[%swap3A_481, %swap3A_482, %swap3A_483] : memref<12x64x32xf32, #tpu.memory_space<vmem>>, vector<1x64x32xf32>
        %swap3A_485 = vector.shape_cast %swap3A_484 : vector<1x64x32xf32> to vector<64x32xf32>
        %swap3A_486 = vector.shape_cast %select_n3A_480 : vector<64x32xf32> to vector<1x64x32xf32>
        tpu.vector_store %arg9[%swap3A_481, %swap3A_482, %swap3A_483], %swap3A_486 {strides = array<i32>} : memref<12x64x32xf32, #tpu.memory_space<vmem>>, vector<1x64x32xf32>,
        %get3A_487 = arith.constant 6 : index
        %get3A_488 = arith.constant 0 : index
        %get3A_489 = arith.constant 0 : index
        %get3A_490 = vector.load %arg10[%get3A_487, %get3A_488, %get3A_489] : memref<12x64x32xi32, #tpu.memory_space<vmem>>, vector<1x64x32xi32>
        %get3A_491 = vector.shape_cast %get3A_490 : vector<1x64x32xi32> to vector<64x32xi32>
        %broadcast_in_dim3A_492 = vector.shape_cast %add3A_472 : vector<64x1xi32> to vector<64x1xi32>
        %broadcast_in_dim3A_493 = vector.broadcast %broadcast_in_dim3A_492 : vector<64x1xi32> to vector<64x32xi32>
        %select_n3A_494 = arith.select %eq3A_175, %broadcast_in_dim3A_493, %get3A_491 : vector<64x32xi1>, vector<64x32xi32>
        %swap3A_495 = arith.constant 6 : index
        %swap3A_496 = arith.constant 0 : index
        %swap3A_497 = arith.constant 0 : index
        %swap3A_498 = vector.load %arg10[%swap3A_495, %swap3A_496, %swap3A_497] : memref<12x64x32xi32, #tpu.memory_space<vmem>>, vector<1x64x32xi32>
        %swap3A_499 = vector.shape_cast %swap3A_498 : vector<1x64x32xi32> to vector<64x32xi32>
        %swap3A_500 = vector.shape_cast %select_n3A_494 : vector<64x32xi32> to vector<1x64x32xi32>
        tpu.vector_store %arg10[%swap3A_495, %swap3A_496, %swap3A_497], %swap3A_500 {strides = array<i32>} : memref<12x64x32xi32, #tpu.memory_space<vmem>>, vector<1x64x32xi32>,
        %eq3A_501 = vector.broadcast %broadcast_in_dim3A_468 : vector<64x1xi32> to vector<64x2048xi32>
        %eq3A_502 = arith.cmpi eq, %iota3A, %eq3A_501 : vector<64x2048xi32>
        %broadcast_in_dim3A_503 = vector.broadcast %scan3A_80 : f32 to vector<64x2048xf32>
        %select_n3A_504 = arith.select %eq3A_502, %broadcast_in_dim3A_503, %select_n3A_457 : vector<64x2048xi1>, vector<64x2048xf32>
        %reduce_max3A_505 = arith.constant dense<0xFF800000> : vector<64xf32>
        %reduce_max3A_506 = vector.multi_reduction <maximumf>, %select_n3A_504, %reduce_max3A_505 [1] : vector<64x2048xf32> to vector<64xf32>
        %broadcast_in_dim3A_507 = vector.shape_cast %reduce_max3A_506 : vector<64xf32> to vector<64x1xf32>
        %eq3A_508 = vector.broadcast %broadcast_in_dim3A_507 : vector<64x1xf32> to vector<64x2048xf32>
        %eq3A_509 = arith.cmpf oeq, %select_n3A_504, %eq3A_508 : vector<64x2048xf32>
        %jit3A_510 = arith.constant 2048 : i32
        %broadcast_in_dim3A_511 = vector.broadcast %jit3A_510 : i32 to vector<64x2048xi32>
        %select_n3A_512 = arith.select %eq3A_509, %iota3A, %broadcast_in_dim3A_511 : vector<64x2048xi1>, vector<64x2048xi32>
        %reduce_min3A_513 = arith.constant dense<2147483647> : vector<64xi32>
        %reduce_min3A_514 = vector.multi_reduction <minsi>, %select_n3A_512, %reduce_min3A_513 [1] : vector<64x2048xi32> to vector<64xi32>
        %broadcast_in_dim3A_515 = vector.shape_cast %reduce_min3A_514 : vector<64xi32> to vector<64x1xi32>
        %mul3A_516 = arith.constant 2048 : i32
        %mul3A_517 = arith.muli %scan3A_150, %mul3A_516 : i32
        %add3A_518 = vector.broadcast %mul3A_517 : i32 to vector<64x1xi32>
        %add3A_519 = arith.addi %broadcast_in_dim3A_515, %add3A_518 : vector<64x1xi32>
        %get3A_520 = arith.constant 7 : index
        %get3A_521 = arith.constant 0 : index
        %get3A_522 = arith.constant 0 : index
        %get3A_523 = vector.load %arg9[%get3A_520, %get3A_521, %get3A_522] : memref<12x64x32xf32, #tpu.memory_space<vmem>>, vector<1x64x32xf32>
        %get3A_524 = vector.shape_cast %get3A_523 : vector<1x64x32xf32> to vector<64x32xf32>
        %broadcast_in_dim3A_525 = vector.shape_cast %broadcast_in_dim3A_507 : vector<64x1xf32> to vector<64x1xf32>
        %broadcast_in_dim3A_526 = vector.broadcast %broadcast_in_dim3A_525 : vector<64x1xf32> to vector<64x32xf32>
        %select_n3A_527 = arith.select %eq3A_175, %broadcast_in_dim3A_526, %get3A_524 : vector<64x32xi1>, vector<64x32xf32>
        %swap3A_528 = arith.constant 7 : index
        %swap3A_529 = arith.constant 0 : index
        %swap3A_530 = arith.constant 0 : index
        %swap3A_531 = vector.load %arg9[%swap3A_528, %swap3A_529, %swap3A_530] : memref<12x64x32xf32, #tpu.memory_space<vmem>>, vector<1x64x32xf32>
        %swap3A_532 = vector.shape_cast %swap3A_531 : vector<1x64x32xf32> to vector<64x32xf32>
        %swap3A_533 = vector.shape_cast %select_n3A_527 : vector<64x32xf32> to vector<1x64x32xf32>
        tpu.vector_store %arg9[%swap3A_528, %swap3A_529, %swap3A_530], %swap3A_533 {strides = array<i32>} : memref<12x64x32xf32, #tpu.memory_space<vmem>>, vector<1x64x32xf32>,
        %get3A_534 = arith.constant 7 : index
        %get3A_535 = arith.constant 0 : index
        %get3A_536 = arith.constant 0 : index
        %get3A_537 = vector.load %arg10[%get3A_534, %get3A_535, %get3A_536] : memref<12x64x32xi32, #tpu.memory_space<vmem>>, vector<1x64x32xi32>
        %get3A_538 = vector.shape_cast %get3A_537 : vector<1x64x32xi32> to vector<64x32xi32>
        %broadcast_in_dim3A_539 = vector.shape_cast %add3A_519 : vector<64x1xi32> to vector<64x1xi32>
        %broadcast_in_dim3A_540 = vector.broadcast %broadcast_in_dim3A_539 : vector<64x1xi32> to vector<64x32xi32>
        %select_n3A_541 = arith.select %eq3A_175, %broadcast_in_dim3A_540, %get3A_538 : vector<64x32xi1>, vector<64x32xi32>
        %swap3A_542 = arith.constant 7 : index
        %swap3A_543 = arith.constant 0 : index
        %swap3A_544 = arith.constant 0 : index
        %swap3A_545 = vector.load %arg10[%swap3A_542, %swap3A_543, %swap3A_544] : memref<12x64x32xi32, #tpu.memory_space<vmem>>, vector<1x64x32xi32>
        %swap3A_546 = vector.shape_cast %swap3A_545 : vector<1x64x32xi32> to vector<64x32xi32>
        %swap3A_547 = vector.shape_cast %select_n3A_541 : vector<64x32xi32> to vector<1x64x32xi32>
        tpu.vector_store %arg10[%swap3A_542, %swap3A_543, %swap3A_544], %swap3A_547 {strides = array<i32>} : memref<12x64x32xi32, #tpu.memory_space<vmem>>, vector<1x64x32xi32>,
        %eq3A_548 = vector.broadcast %broadcast_in_dim3A_515 : vector<64x1xi32> to vector<64x2048xi32>
        %eq3A_549 = arith.cmpi eq, %iota3A, %eq3A_548 : vector<64x2048xi32>
        %broadcast_in_dim3A_550 = vector.broadcast %scan3A_80 : f32 to vector<64x2048xf32>
        %select_n3A_551 = arith.select %eq3A_549, %broadcast_in_dim3A_550, %select_n3A_504 : vector<64x2048xi1>, vector<64x2048xf32>
        %reduce_max3A_552 = arith.constant dense<0xFF800000> : vector<64xf32>
        %reduce_max3A_553 = vector.multi_reduction <maximumf>, %select_n3A_551, %reduce_max3A_552 [1] : vector<64x2048xf32> to vector<64xf32>
        %broadcast_in_dim3A_554 = vector.shape_cast %reduce_max3A_553 : vector<64xf32> to vector<64x1xf32>
        %eq3A_555 = vector.broadcast %broadcast_in_dim3A_554 : vector<64x1xf32> to vector<64x2048xf32>
        %eq3A_556 = arith.cmpf oeq, %select_n3A_551, %eq3A_555 : vector<64x2048xf32>
        %jit3A_557 = arith.constant 2048 : i32
        %broadcast_in_dim3A_558 = vector.broadcast %jit3A_557 : i32 to vector<64x2048xi32>
        %select_n3A_559 = arith.select %eq3A_556, %iota3A, %broadcast_in_dim3A_558 : vector<64x2048xi1>, vector<64x2048xi32>
        %reduce_min3A_560 = arith.constant dense<2147483647> : vector<64xi32>
        %reduce_min3A_561 = vector.multi_reduction <minsi>, %select_n3A_559, %reduce_min3A_560 [1] : vector<64x2048xi32> to vector<64xi32>
        %broadcast_in_dim3A_562 = vector.shape_cast %reduce_min3A_561 : vector<64xi32> to vector<64x1xi32>
        %mul3A_563 = arith.constant 2048 : i32
        %mul3A_564 = arith.muli %scan3A_150, %mul3A_563 : i32
        %add3A_565 = vector.broadcast %mul3A_564 : i32 to vector<64x1xi32>
        %add3A_566 = arith.addi %broadcast_in_dim3A_562, %add3A_565 : vector<64x1xi32>
        %get3A_567 = arith.constant 8 : index
        %get3A_568 = arith.constant 0 : index
        %get3A_569 = arith.constant 0 : index
        %get3A_570 = vector.load %arg9[%get3A_567, %get3A_568, %get3A_569] : memref<12x64x32xf32, #tpu.memory_space<vmem>>, vector<1x64x32xf32>
        %get3A_571 = vector.shape_cast %get3A_570 : vector<1x64x32xf32> to vector<64x32xf32>
        %broadcast_in_dim3A_572 = vector.shape_cast %broadcast_in_dim3A_554 : vector<64x1xf32> to vector<64x1xf32>
        %broadcast_in_dim3A_573 = vector.broadcast %broadcast_in_dim3A_572 : vector<64x1xf32> to vector<64x32xf32>
        %select_n3A_574 = arith.select %eq3A_175, %broadcast_in_dim3A_573, %get3A_571 : vector<64x32xi1>, vector<64x32xf32>
        %swap3A_575 = arith.constant 8 : index
        %swap3A_576 = arith.constant 0 : index
        %swap3A_577 = arith.constant 0 : index
        %swap3A_578 = vector.load %arg9[%swap3A_575, %swap3A_576, %swap3A_577] : memref<12x64x32xf32, #tpu.memory_space<vmem>>, vector<1x64x32xf32>
        %swap3A_579 = vector.shape_cast %swap3A_578 : vector<1x64x32xf32> to vector<64x32xf32>
        %swap3A_580 = vector.shape_cast %select_n3A_574 : vector<64x32xf32> to vector<1x64x32xf32>
        tpu.vector_store %arg9[%swap3A_575, %swap3A_576, %swap3A_577], %swap3A_580 {strides = array<i32>} : memref<12x64x32xf32, #tpu.memory_space<vmem>>, vector<1x64x32xf32>,
        %get3A_581 = arith.constant 8 : index
        %get3A_582 = arith.constant 0 : index
        %get3A_583 = arith.constant 0 : index
        %get3A_584 = vector.load %arg10[%get3A_581, %get3A_582, %get3A_583] : memref<12x64x32xi32, #tpu.memory_space<vmem>>, vector<1x64x32xi32>
        %get3A_585 = vector.shape_cast %get3A_584 : vector<1x64x32xi32> to vector<64x32xi32>
        %broadcast_in_dim3A_586 = vector.shape_cast %add3A_566 : vector<64x1xi32> to vector<64x1xi32>
        %broadcast_in_dim3A_587 = vector.broadcast %broadcast_in_dim3A_586 : vector<64x1xi32> to vector<64x32xi32>
        %select_n3A_588 = arith.select %eq3A_175, %broadcast_in_dim3A_587, %get3A_585 : vector<64x32xi1>, vector<64x32xi32>
        %swap3A_589 = arith.constant 8 : index
        %swap3A_590 = arith.constant 0 : index
        %swap3A_591 = arith.constant 0 : index
        %swap3A_592 = vector.load %arg10[%swap3A_589, %swap3A_590, %swap3A_591] : memref<12x64x32xi32, #tpu.memory_space<vmem>>, vector<1x64x32xi32>
        %swap3A_593 = vector.shape_cast %swap3A_592 : vector<1x64x32xi32> to vector<64x32xi32>
        %swap3A_594 = vector.shape_cast %select_n3A_588 : vector<64x32xi32> to vector<1x64x32xi32>
        tpu.vector_store %arg10[%swap3A_589, %swap3A_590, %swap3A_591], %swap3A_594 {strides = array<i32>} : memref<12x64x32xi32, #tpu.memory_space<vmem>>, vector<1x64x32xi32>,
        %eq3A_595 = vector.broadcast %broadcast_in_dim3A_562 : vector<64x1xi32> to vector<64x2048xi32>
        %eq3A_596 = arith.cmpi eq, %iota3A, %eq3A_595 : vector<64x2048xi32>
        %broadcast_in_dim3A_597 = vector.broadcast %scan3A_80 : f32 to vector<64x2048xf32>
        %select_n3A_598 = arith.select %eq3A_596, %broadcast_in_dim3A_597, %select_n3A_551 : vector<64x2048xi1>, vector<64x2048xf32>
        %reduce_max3A_599 = arith.constant dense<0xFF800000> : vector<64xf32>
        %reduce_max3A_600 = vector.multi_reduction <maximumf>, %select_n3A_598, %reduce_max3A_599 [1] : vector<64x2048xf32> to vector<64xf32>
        %broadcast_in_dim3A_601 = vector.shape_cast %reduce_max3A_600 : vector<64xf32> to vector<64x1xf32>
        %eq3A_602 = vector.broadcast %broadcast_in_dim3A_601 : vector<64x1xf32> to vector<64x2048xf32>
        %eq3A_603 = arith.cmpf oeq, %select_n3A_598, %eq3A_602 : vector<64x2048xf32>
        %jit3A_604 = arith.constant 2048 : i32
        %broadcast_in_dim3A_605 = vector.broadcast %jit3A_604 : i32 to vector<64x2048xi32>
        %select_n3A_606 = arith.select %eq3A_603, %iota3A, %broadcast_in_dim3A_605 : vector<64x2048xi1>, vector<64x2048xi32>
        %reduce_min3A_607 = arith.constant dense<2147483647> : vector<64xi32>
        %reduce_min3A_608 = vector.multi_reduction <minsi>, %select_n3A_606, %reduce_min3A_607 [1] : vector<64x2048xi32> to vector<64xi32>
        %broadcast_in_dim3A_609 = vector.shape_cast %reduce_min3A_608 : vector<64xi32> to vector<64x1xi32>
        %mul3A_610 = arith.constant 2048 : i32
        %mul3A_611 = arith.muli %scan3A_150, %mul3A_610 : i32
        %add3A_612 = vector.broadcast %mul3A_611 : i32 to vector<64x1xi32>
        %add3A_613 = arith.addi %broadcast_in_dim3A_609, %add3A_612 : vector<64x1xi32>
        %get3A_614 = arith.constant 9 : index
        %get3A_615 = arith.constant 0 : index
        %get3A_616 = arith.constant 0 : index
        %get3A_617 = vector.load %arg9[%get3A_614, %get3A_615, %get3A_616] : memref<12x64x32xf32, #tpu.memory_space<vmem>>, vector<1x64x32xf32>
        %get3A_618 = vector.shape_cast %get3A_617 : vector<1x64x32xf32> to vector<64x32xf32>
        %broadcast_in_dim3A_619 = vector.shape_cast %broadcast_in_dim3A_601 : vector<64x1xf32> to vector<64x1xf32>
        %broadcast_in_dim3A_620 = vector.broadcast %broadcast_in_dim3A_619 : vector<64x1xf32> to vector<64x32xf32>
        %select_n3A_621 = arith.select %eq3A_175, %broadcast_in_dim3A_620, %get3A_618 : vector<64x32xi1>, vector<64x32xf32>
        %swap3A_622 = arith.constant 9 : index
        %swap3A_623 = arith.constant 0 : index
        %swap3A_624 = arith.constant 0 : index
        %swap3A_625 = vector.load %arg9[%swap3A_622, %swap3A_623, %swap3A_624] : memref<12x64x32xf32, #tpu.memory_space<vmem>>, vector<1x64x32xf32>
        %swap3A_626 = vector.shape_cast %swap3A_625 : vector<1x64x32xf32> to vector<64x32xf32>
        %swap3A_627 = vector.shape_cast %select_n3A_621 : vector<64x32xf32> to vector<1x64x32xf32>
        tpu.vector_store %arg9[%swap3A_622, %swap3A_623, %swap3A_624], %swap3A_627 {strides = array<i32>} : memref<12x64x32xf32, #tpu.memory_space<vmem>>, vector<1x64x32xf32>,
        %get3A_628 = arith.constant 9 : index
        %get3A_629 = arith.constant 0 : index
        %get3A_630 = arith.constant 0 : index
        %get3A_631 = vector.load %arg10[%get3A_628, %get3A_629, %get3A_630] : memref<12x64x32xi32, #tpu.memory_space<vmem>>, vector<1x64x32xi32>
        %get3A_632 = vector.shape_cast %get3A_631 : vector<1x64x32xi32> to vector<64x32xi32>
        %broadcast_in_dim3A_633 = vector.shape_cast %add3A_613 : vector<64x1xi32> to vector<64x1xi32>
        %broadcast_in_dim3A_634 = vector.broadcast %broadcast_in_dim3A_633 : vector<64x1xi32> to vector<64x32xi32>
        %select_n3A_635 = arith.select %eq3A_175, %broadcast_in_dim3A_634, %get3A_632 : vector<64x32xi1>, vector<64x32xi32>
        %swap3A_636 = arith.constant 9 : index
        %swap3A_637 = arith.constant 0 : index
        %swap3A_638 = arith.constant 0 : index
        %swap3A_639 = vector.load %arg10[%swap3A_636, %swap3A_637, %swap3A_638] : memref<12x64x32xi32, #tpu.memory_space<vmem>>, vector<1x64x32xi32>
        %swap3A_640 = vector.shape_cast %swap3A_639 : vector<1x64x32xi32> to vector<64x32xi32>
        %swap3A_641 = vector.shape_cast %select_n3A_635 : vector<64x32xi32> to vector<1x64x32xi32>
        tpu.vector_store %arg10[%swap3A_636, %swap3A_637, %swap3A_638], %swap3A_641 {strides = array<i32>} : memref<12x64x32xi32, #tpu.memory_space<vmem>>, vector<1x64x32xi32>,
        %eq3A_642 = vector.broadcast %broadcast_in_dim3A_609 : vector<64x1xi32> to vector<64x2048xi32>
        %eq3A_643 = arith.cmpi eq, %iota3A, %eq3A_642 : vector<64x2048xi32>
        %broadcast_in_dim3A_644 = vector.broadcast %scan3A_80 : f32 to vector<64x2048xf32>
        %select_n3A_645 = arith.select %eq3A_643, %broadcast_in_dim3A_644, %select_n3A_598 : vector<64x2048xi1>, vector<64x2048xf32>
        %reduce_max3A_646 = arith.constant dense<0xFF800000> : vector<64xf32>
        %reduce_max3A_647 = vector.multi_reduction <maximumf>, %select_n3A_645, %reduce_max3A_646 [1] : vector<64x2048xf32> to vector<64xf32>
        %broadcast_in_dim3A_648 = vector.shape_cast %reduce_max3A_647 : vector<64xf32> to vector<64x1xf32>
        %eq3A_649 = vector.broadcast %broadcast_in_dim3A_648 : vector<64x1xf32> to vector<64x2048xf32>
        %eq3A_650 = arith.cmpf oeq, %select_n3A_645, %eq3A_649 : vector<64x2048xf32>
        %jit3A_651 = arith.constant 2048 : i32
        %broadcast_in_dim3A_652 = vector.broadcast %jit3A_651 : i32 to vector<64x2048xi32>
        %select_n3A_653 = arith.select %eq3A_650, %iota3A, %broadcast_in_dim3A_652 : vector<64x2048xi1>, vector<64x2048xi32>
        %reduce_min3A_654 = arith.constant dense<2147483647> : vector<64xi32>
        %reduce_min3A_655 = vector.multi_reduction <minsi>, %select_n3A_653, %reduce_min3A_654 [1] : vector<64x2048xi32> to vector<64xi32>
        %broadcast_in_dim3A_656 = vector.shape_cast %reduce_min3A_655 : vector<64xi32> to vector<64x1xi32>
        %mul3A_657 = arith.constant 2048 : i32
        %mul3A_658 = arith.muli %scan3A_150, %mul3A_657 : i32
        %add3A_659 = vector.broadcast %mul3A_658 : i32 to vector<64x1xi32>
        %add3A_660 = arith.addi %broadcast_in_dim3A_656, %add3A_659 : vector<64x1xi32>
        %get3A_661 = arith.constant 10 : index
        %get3A_662 = arith.constant 0 : index
        %get3A_663 = arith.constant 0 : index
        %get3A_664 = vector.load %arg9[%get3A_661, %get3A_662, %get3A_663] : memref<12x64x32xf32, #tpu.memory_space<vmem>>, vector<1x64x32xf32>
        %get3A_665 = vector.shape_cast %get3A_664 : vector<1x64x32xf32> to vector<64x32xf32>
        %broadcast_in_dim3A_666 = vector.shape_cast %broadcast_in_dim3A_648 : vector<64x1xf32> to vector<64x1xf32>
        %broadcast_in_dim3A_667 = vector.broadcast %broadcast_in_dim3A_666 : vector<64x1xf32> to vector<64x32xf32>
        %select_n3A_668 = arith.select %eq3A_175, %broadcast_in_dim3A_667, %get3A_665 : vector<64x32xi1>, vector<64x32xf32>
        %swap3A_669 = arith.constant 10 : index
        %swap3A_670 = arith.constant 0 : index
        %swap3A_671 = arith.constant 0 : index
        %swap3A_672 = vector.load %arg9[%swap3A_669, %swap3A_670, %swap3A_671] : memref<12x64x32xf32, #tpu.memory_space<vmem>>, vector<1x64x32xf32>
        %swap3A_673 = vector.shape_cast %swap3A_672 : vector<1x64x32xf32> to vector<64x32xf32>
        %swap3A_674 = vector.shape_cast %select_n3A_668 : vector<64x32xf32> to vector<1x64x32xf32>
        tpu.vector_store %arg9[%swap3A_669, %swap3A_670, %swap3A_671], %swap3A_674 {strides = array<i32>} : memref<12x64x32xf32, #tpu.memory_space<vmem>>, vector<1x64x32xf32>,
        %get3A_675 = arith.constant 10 : index
        %get3A_676 = arith.constant 0 : index
        %get3A_677 = arith.constant 0 : index
        %get3A_678 = vector.load %arg10[%get3A_675, %get3A_676, %get3A_677] : memref<12x64x32xi32, #tpu.memory_space<vmem>>, vector<1x64x32xi32>
        %get3A_679 = vector.shape_cast %get3A_678 : vector<1x64x32xi32> to vector<64x32xi32>
        %broadcast_in_dim3A_680 = vector.shape_cast %add3A_660 : vector<64x1xi32> to vector<64x1xi32>
        %broadcast_in_dim3A_681 = vector.broadcast %broadcast_in_dim3A_680 : vector<64x1xi32> to vector<64x32xi32>
        %select_n3A_682 = arith.select %eq3A_175, %broadcast_in_dim3A_681, %get3A_679 : vector<64x32xi1>, vector<64x32xi32>
        %swap3A_683 = arith.constant 10 : index
        %swap3A_684 = arith.constant 0 : index
        %swap3A_685 = arith.constant 0 : index
        %swap3A_686 = vector.load %arg10[%swap3A_683, %swap3A_684, %swap3A_685] : memref<12x64x32xi32, #tpu.memory_space<vmem>>, vector<1x64x32xi32>
        %swap3A_687 = vector.shape_cast %swap3A_686 : vector<1x64x32xi32> to vector<64x32xi32>
        %swap3A_688 = vector.shape_cast %select_n3A_682 : vector<64x32xi32> to vector<1x64x32xi32>
        tpu.vector_store %arg10[%swap3A_683, %swap3A_684, %swap3A_685], %swap3A_688 {strides = array<i32>} : memref<12x64x32xi32, #tpu.memory_space<vmem>>, vector<1x64x32xi32>,
        %eq3A_689 = vector.broadcast %broadcast_in_dim3A_656 : vector<64x1xi32> to vector<64x2048xi32>
        %eq3A_690 = arith.cmpi eq, %iota3A, %eq3A_689 : vector<64x2048xi32>
        %broadcast_in_dim3A_691 = vector.broadcast %scan3A_80 : f32 to vector<64x2048xf32>
        %select_n3A_692 = arith.select %eq3A_690, %broadcast_in_dim3A_691, %select_n3A_645 : vector<64x2048xi1>, vector<64x2048xf32>
        %reduce_max3A_693 = arith.constant dense<0xFF800000> : vector<64xf32>
        %reduce_max3A_694 = vector.multi_reduction <maximumf>, %select_n3A_692, %reduce_max3A_693 [1] : vector<64x2048xf32> to vector<64xf32>
        %broadcast_in_dim3A_695 = vector.shape_cast %reduce_max3A_694 : vector<64xf32> to vector<64x1xf32>
        %eq3A_696 = vector.broadcast %broadcast_in_dim3A_695 : vector<64x1xf32> to vector<64x2048xf32>
        %eq3A_697 = arith.cmpf oeq, %select_n3A_692, %eq3A_696 : vector<64x2048xf32>
        %jit3A_698 = arith.constant 2048 : i32
        %broadcast_in_dim3A_699 = vector.broadcast %jit3A_698 : i32 to vector<64x2048xi32>
        %select_n3A_700 = arith.select %eq3A_697, %iota3A, %broadcast_in_dim3A_699 : vector<64x2048xi1>, vector<64x2048xi32>
        %reduce_min3A_701 = arith.constant dense<2147483647> : vector<64xi32>
        %reduce_min3A_702 = vector.multi_reduction <minsi>, %select_n3A_700, %reduce_min3A_701 [1] : vector<64x2048xi32> to vector<64xi32>
        %broadcast_in_dim3A_703 = vector.shape_cast %reduce_min3A_702 : vector<64xi32> to vector<64x1xi32>
        %mul3A_704 = arith.constant 2048 : i32
        %mul3A_705 = arith.muli %scan3A_150, %mul3A_704 : i32
        %add3A_706 = vector.broadcast %mul3A_705 : i32 to vector<64x1xi32>
        %add3A_707 = arith.addi %broadcast_in_dim3A_703, %add3A_706 : vector<64x1xi32>
        %get3A_708 = arith.constant 11 : index
        %get3A_709 = arith.constant 0 : index
        %get3A_710 = arith.constant 0 : index
        %get3A_711 = vector.load %arg9[%get3A_708, %get3A_709, %get3A_710] : memref<12x64x32xf32, #tpu.memory_space<vmem>>, vector<1x64x32xf32>
        %get3A_712 = vector.shape_cast %get3A_711 : vector<1x64x32xf32> to vector<64x32xf32>
        %broadcast_in_dim3A_713 = vector.shape_cast %broadcast_in_dim3A_695 : vector<64x1xf32> to vector<64x1xf32>
        %broadcast_in_dim3A_714 = vector.broadcast %broadcast_in_dim3A_713 : vector<64x1xf32> to vector<64x32xf32>
        %select_n3A_715 = arith.select %eq3A_175, %broadcast_in_dim3A_714, %get3A_712 : vector<64x32xi1>, vector<64x32xf32>
        %swap3A_716 = arith.constant 11 : index
        %swap3A_717 = arith.constant 0 : index
        %swap3A_718 = arith.constant 0 : index
        %swap3A_719 = vector.load %arg9[%swap3A_716, %swap3A_717, %swap3A_718] : memref<12x64x32xf32, #tpu.memory_space<vmem>>, vector<1x64x32xf32>
        %swap3A_720 = vector.shape_cast %swap3A_719 : vector<1x64x32xf32> to vector<64x32xf32>
        %swap3A_721 = vector.shape_cast %select_n3A_715 : vector<64x32xf32> to vector<1x64x32xf32>
        tpu.vector_store %arg9[%swap3A_716, %swap3A_717, %swap3A_718], %swap3A_721 {strides = array<i32>} : memref<12x64x32xf32, #tpu.memory_space<vmem>>, vector<1x64x32xf32>,
        %get3A_722 = arith.constant 11 : index
        %get3A_723 = arith.constant 0 : index
        %get3A_724 = arith.constant 0 : index
        %get3A_725 = vector.load %arg10[%get3A_722, %get3A_723, %get3A_724] : memref<12x64x32xi32, #tpu.memory_space<vmem>>, vector<1x64x32xi32>
        %get3A_726 = vector.shape_cast %get3A_725 : vector<1x64x32xi32> to vector<64x32xi32>
        %broadcast_in_dim3A_727 = vector.shape_cast %add3A_707 : vector<64x1xi32> to vector<64x1xi32>
        %broadcast_in_dim3A_728 = vector.broadcast %broadcast_in_dim3A_727 : vector<64x1xi32> to vector<64x32xi32>
        %select_n3A_729 = arith.select %eq3A_175, %broadcast_in_dim3A_728, %get3A_726 : vector<64x32xi1>, vector<64x32xi32>
        %swap3A_730 = arith.constant 11 : index
        %swap3A_731 = arith.constant 0 : index
        %swap3A_732 = arith.constant 0 : index
        %swap3A_733 = vector.load %arg10[%swap3A_730, %swap3A_731, %swap3A_732] : memref<12x64x32xi32, #tpu.memory_space<vmem>>, vector<1x64x32xi32>
        %swap3A_734 = vector.shape_cast %swap3A_733 : vector<1x64x32xi32> to vector<64x32xi32>
        %swap3A_735 = vector.shape_cast %select_n3A_729 : vector<64x32xi32> to vector<1x64x32xi32>
        tpu.vector_store %arg10[%swap3A_730, %swap3A_731, %swap3A_732], %swap3A_735 {strides = array<i32>} : memref<12x64x32xi32, #tpu.memory_space<vmem>>, vector<1x64x32xi32>,
      }
      %scan3A_85 = arith.constant 25 : i32
      %broadcast_in_dim3A_86 = arith.constant 0.000000e+00 : f32
      %broadcast_in_dim3A_87 = vector.broadcast %broadcast_in_dim3A_86 : f32 to vector<64x50xf32>
      %broadcast_in_dim3A_88 = arith.constant 0 : i32
      %broadcast_in_dim3A_89 = vector.broadcast %broadcast_in_dim3A_88 : i32 to vector<64x50xi32>
      %broadcast_in_dim3A_90 = arith.constant 0 : i32
      %broadcast_in_dim3A_91 = vector.broadcast %broadcast_in_dim3A_90 : i32 to vector<64x32xi32>
      %scan3A_92 = arith.constant 0xFF800000 : f32
      %scan3A_93 = arith.constant 0 : i32
      %scan3A_94 = arith.constant 50 : i32
      %scan3A_95 = arith.addi %scan3A_93, %scan3A_94 : i32
      %scan3A_96 = arith.constant 1 : i32
      %scan3A_97:3 = scf.for %scan3A_150 = %scan3A_93 to %scan3A_95 step %scan3A_96 iter_args(%scan3A_151 = %broadcast_in_dim3A_87, %scan3A_152 = %broadcast_in_dim3A_89, %scan3A_153 = %broadcast_in_dim3A_91) -> (vector<64x50xf32>, vector<64x50xi32>, vector<64x32xi32>)  : i32 {
        %broadcast_in_dim3A_154 = vector.broadcast %scan3A_92 : f32 to vector<64x32xf32>
        %broadcast_in_dim3A_155 = arith.constant 0 : i32
        %broadcast_in_dim3A_156 = vector.broadcast %broadcast_in_dim3A_155 : i32 to vector<64x32xi32>
        %eq3A_157 = arith.constant 0 : i32
        %eq3A_158 = vector.broadcast %eq3A_157 : i32 to vector<64x32xi32>
        %eq3A_159 = arith.cmpi eq, %scan3A_153, %eq3A_158 : vector<64x32xi32>
        %get3A_160 = arith.constant 0 : index
        %get3A_161 = arith.constant 0 : index
        %get3A_162 = arith.constant 0 : index
        %get3A_163 = vector.load %arg9[%get3A_160, %get3A_161, %get3A_162] : memref<12x64x32xf32, #tpu.memory_space<vmem>>, vector<1x64x32xf32>
        %get3A_164 = vector.shape_cast %get3A_163 : vector<1x64x32xf32> to vector<64x32xf32>
        %select_n3A_165 = arith.select %eq3A_159, %get3A_164, %broadcast_in_dim3A_154 : vector<64x32xi1>, vector<64x32xf32>
        %get3A_166 = arith.constant 0 : index
        %get3A_167 = arith.constant 0 : index
        %get3A_168 = arith.constant 0 : index
        %get3A_169 = vector.load %arg10[%get3A_166, %get3A_167, %get3A_168] : memref<12x64x32xi32, #tpu.memory_space<vmem>>, vector<1x64x32xi32>
        %get3A_170 = vector.shape_cast %get3A_169 : vector<1x64x32xi32> to vector<64x32xi32>
        %select_n3A_171 = arith.select %eq3A_159, %get3A_170, %broadcast_in_dim3A_156 : vector<64x32xi1>, vector<64x32xi32>
        %eq3A_172 = arith.constant 1 : i32
        %eq3A_173 = vector.broadcast %eq3A_172 : i32 to vector<64x32xi32>
        %eq3A_174 = arith.cmpi eq, %scan3A_153, %eq3A_173 : vector<64x32xi32>
        %get3A_175 = arith.constant 1 : index
        %get3A_176 = arith.constant 0 : index
        %get3A_177 = arith.constant 0 : index
        %get3A_178 = vector.load %arg9[%get3A_175, %get3A_176, %get3A_177] : memref<12x64x32xf32, #tpu.memory_space<vmem>>, vector<1x64x32xf32>
        %get3A_179 = vector.shape_cast %get3A_178 : vector<1x64x32xf32> to vector<64x32xf32>
        %select_n3A_180 = arith.select %eq3A_174, %get3A_179, %select_n3A_165 : vector<64x32xi1>, vector<64x32xf32>
        %get3A_181 = arith.constant 1 : index
        %get3A_182 = arith.constant 0 : index
        %get3A_183 = arith.constant 0 : index
        %get3A_184 = vector.load %arg10[%get3A_181, %get3A_182, %get3A_183] : memref<12x64x32xi32, #tpu.memory_space<vmem>>, vector<1x64x32xi32>
        %get3A_185 = vector.shape_cast %get3A_184 : vector<1x64x32xi32> to vector<64x32xi32>
        %select_n3A_186 = arith.select %eq3A_174, %get3A_185, %select_n3A_171 : vector<64x32xi1>, vector<64x32xi32>
        %eq3A_187 = arith.constant 2 : i32
        %eq3A_188 = vector.broadcast %eq3A_187 : i32 to vector<64x32xi32>
        %eq3A_189 = arith.cmpi eq, %scan3A_153, %eq3A_188 : vector<64x32xi32>
        %get3A_190 = arith.constant 2 : index
        %get3A_191 = arith.constant 0 : index
        %get3A_192 = arith.constant 0 : index
        %get3A_193 = vector.load %arg9[%get3A_190, %get3A_191, %get3A_192] : memref<12x64x32xf32, #tpu.memory_space<vmem>>, vector<1x64x32xf32>
        %get3A_194 = vector.shape_cast %get3A_193 : vector<1x64x32xf32> to vector<64x32xf32>
        %select_n3A_195 = arith.select %eq3A_189, %get3A_194, %select_n3A_180 : vector<64x32xi1>, vector<64x32xf32>
        %get3A_196 = arith.constant 2 : index
        %get3A_197 = arith.constant 0 : index
        %get3A_198 = arith.constant 0 : index
        %get3A_199 = vector.load %arg10[%get3A_196, %get3A_197, %get3A_198] : memref<12x64x32xi32, #tpu.memory_space<vmem>>, vector<1x64x32xi32>
        %get3A_200 = vector.shape_cast %get3A_199 : vector<1x64x32xi32> to vector<64x32xi32>
        %select_n3A_201 = arith.select %eq3A_189, %get3A_200, %select_n3A_186 : vector<64x32xi1>, vector<64x32xi32>
        %eq3A_202 = arith.constant 3 : i32
        %eq3A_203 = vector.broadcast %eq3A_202 : i32 to vector<64x32xi32>
        %eq3A_204 = arith.cmpi eq, %scan3A_153, %eq3A_203 : vector<64x32xi32>
        %get3A_205 = arith.constant 3 : index
        %get3A_206 = arith.constant 0 : index
        %get3A_207 = arith.constant 0 : index
        %get3A_208 = vector.load %arg9[%get3A_205, %get3A_206, %get3A_207] : memref<12x64x32xf32, #tpu.memory_space<vmem>>, vector<1x64x32xf32>
        %get3A_209 = vector.shape_cast %get3A_208 : vector<1x64x32xf32> to vector<64x32xf32>
        %select_n3A_210 = arith.select %eq3A_204, %get3A_209, %select_n3A_195 : vector<64x32xi1>, vector<64x32xf32>
        %get3A_211 = arith.constant 3 : index
        %get3A_212 = arith.constant 0 : index
        %get3A_213 = arith.constant 0 : index
        %get3A_214 = vector.load %arg10[%get3A_211, %get3A_212, %get3A_213] : memref<12x64x32xi32, #tpu.memory_space<vmem>>, vector<1x64x32xi32>
        %get3A_215 = vector.shape_cast %get3A_214 : vector<1x64x32xi32> to vector<64x32xi32>
        %select_n3A_216 = arith.select %eq3A_204, %get3A_215, %select_n3A_201 : vector<64x32xi1>, vector<64x32xi32>
        %eq3A_217 = arith.constant 4 : i32
        %eq3A_218 = vector.broadcast %eq3A_217 : i32 to vector<64x32xi32>
        %eq3A_219 = arith.cmpi eq, %scan3A_153, %eq3A_218 : vector<64x32xi32>
        %get3A_220 = arith.constant 4 : index
        %get3A_221 = arith.constant 0 : index
        %get3A_222 = arith.constant 0 : index
        %get3A_223 = vector.load %arg9[%get3A_220, %get3A_221, %get3A_222] : memref<12x64x32xf32, #tpu.memory_space<vmem>>, vector<1x64x32xf32>
        %get3A_224 = vector.shape_cast %get3A_223 : vector<1x64x32xf32> to vector<64x32xf32>
        %select_n3A_225 = arith.select %eq3A_219, %get3A_224, %select_n3A_210 : vector<64x32xi1>, vector<64x32xf32>
        %get3A_226 = arith.constant 4 : index
        %get3A_227 = arith.constant 0 : index
        %get3A_228 = arith.constant 0 : index
        %get3A_229 = vector.load %arg10[%get3A_226, %get3A_227, %get3A_228] : memref<12x64x32xi32, #tpu.memory_space<vmem>>, vector<1x64x32xi32>
        %get3A_230 = vector.shape_cast %get3A_229 : vector<1x64x32xi32> to vector<64x32xi32>
        %select_n3A_231 = arith.select %eq3A_219, %get3A_230, %select_n3A_216 : vector<64x32xi1>, vector<64x32xi32>
        %eq3A_232 = arith.constant 5 : i32
        %eq3A_233 = vector.broadcast %eq3A_232 : i32 to vector<64x32xi32>
        %eq3A_234 = arith.cmpi eq, %scan3A_153, %eq3A_233 : vector<64x32xi32>
        %get3A_235 = arith.constant 5 : index
        %get3A_236 = arith.constant 0 : index
        %get3A_237 = arith.constant 0 : index
        %get3A_238 = vector.load %arg9[%get3A_235, %get3A_236, %get3A_237] : memref<12x64x32xf32, #tpu.memory_space<vmem>>, vector<1x64x32xf32>
        %get3A_239 = vector.shape_cast %get3A_238 : vector<1x64x32xf32> to vector<64x32xf32>
        %select_n3A_240 = arith.select %eq3A_234, %get3A_239, %select_n3A_225 : vector<64x32xi1>, vector<64x32xf32>
        %get3A_241 = arith.constant 5 : index
        %get3A_242 = arith.constant 0 : index
        %get3A_243 = arith.constant 0 : index
        %get3A_244 = vector.load %arg10[%get3A_241, %get3A_242, %get3A_243] : memref<12x64x32xi32, #tpu.memory_space<vmem>>, vector<1x64x32xi32>
        %get3A_245 = vector.shape_cast %get3A_244 : vector<1x64x32xi32> to vector<64x32xi32>
        %select_n3A_246 = arith.select %eq3A_234, %get3A_245, %select_n3A_231 : vector<64x32xi1>, vector<64x32xi32>
        %eq3A_247 = arith.constant 6 : i32
        %eq3A_248 = vector.broadcast %eq3A_247 : i32 to vector<64x32xi32>
        %eq3A_249 = arith.cmpi eq, %scan3A_153, %eq3A_248 : vector<64x32xi32>
        %get3A_250 = arith.constant 6 : index
        %get3A_251 = arith.constant 0 : index
        %get3A_252 = arith.constant 0 : index
        %get3A_253 = vector.load %arg9[%get3A_250, %get3A_251, %get3A_252] : memref<12x64x32xf32, #tpu.memory_space<vmem>>, vector<1x64x32xf32>
        %get3A_254 = vector.shape_cast %get3A_253 : vector<1x64x32xf32> to vector<64x32xf32>
        %select_n3A_255 = arith.select %eq3A_249, %get3A_254, %select_n3A_240 : vector<64x32xi1>, vector<64x32xf32>
        %get3A_256 = arith.constant 6 : index
        %get3A_257 = arith.constant 0 : index
        %get3A_258 = arith.constant 0 : index
        %get3A_259 = vector.load %arg10[%get3A_256, %get3A_257, %get3A_258] : memref<12x64x32xi32, #tpu.memory_space<vmem>>, vector<1x64x32xi32>
        %get3A_260 = vector.shape_cast %get3A_259 : vector<1x64x32xi32> to vector<64x32xi32>
        %select_n3A_261 = arith.select %eq3A_249, %get3A_260, %select_n3A_246 : vector<64x32xi1>, vector<64x32xi32>
        %eq3A_262 = arith.constant 7 : i32
        %eq3A_263 = vector.broadcast %eq3A_262 : i32 to vector<64x32xi32>
        %eq3A_264 = arith.cmpi eq, %scan3A_153, %eq3A_263 : vector<64x32xi32>
        %get3A_265 = arith.constant 7 : index
        %get3A_266 = arith.constant 0 : index
        %get3A_267 = arith.constant 0 : index
        %get3A_268 = vector.load %arg9[%get3A_265, %get3A_266, %get3A_267] : memref<12x64x32xf32, #tpu.memory_space<vmem>>, vector<1x64x32xf32>
        %get3A_269 = vector.shape_cast %get3A_268 : vector<1x64x32xf32> to vector<64x32xf32>
        %select_n3A_270 = arith.select %eq3A_264, %get3A_269, %select_n3A_255 : vector<64x32xi1>, vector<64x32xf32>
        %get3A_271 = arith.constant 7 : index
        %get3A_272 = arith.constant 0 : index
        %get3A_273 = arith.constant 0 : index
        %get3A_274 = vector.load %arg10[%get3A_271, %get3A_272, %get3A_273] : memref<12x64x32xi32, #tpu.memory_space<vmem>>, vector<1x64x32xi32>
        %get3A_275 = vector.shape_cast %get3A_274 : vector<1x64x32xi32> to vector<64x32xi32>
        %select_n3A_276 = arith.select %eq3A_264, %get3A_275, %select_n3A_261 : vector<64x32xi1>, vector<64x32xi32>
        %eq3A_277 = arith.constant 8 : i32
        %eq3A_278 = vector.broadcast %eq3A_277 : i32 to vector<64x32xi32>
        %eq3A_279 = arith.cmpi eq, %scan3A_153, %eq3A_278 : vector<64x32xi32>
        %get3A_280 = arith.constant 8 : index
        %get3A_281 = arith.constant 0 : index
        %get3A_282 = arith.constant 0 : index
        %get3A_283 = vector.load %arg9[%get3A_280, %get3A_281, %get3A_282] : memref<12x64x32xf32, #tpu.memory_space<vmem>>, vector<1x64x32xf32>
        %get3A_284 = vector.shape_cast %get3A_283 : vector<1x64x32xf32> to vector<64x32xf32>
        %select_n3A_285 = arith.select %eq3A_279, %get3A_284, %select_n3A_270 : vector<64x32xi1>, vector<64x32xf32>
        %get3A_286 = arith.constant 8 : index
        %get3A_287 = arith.constant 0 : index
        %get3A_288 = arith.constant 0 : index
        %get3A_289 = vector.load %arg10[%get3A_286, %get3A_287, %get3A_288] : memref<12x64x32xi32, #tpu.memory_space<vmem>>, vector<1x64x32xi32>
        %get3A_290 = vector.shape_cast %get3A_289 : vector<1x64x32xi32> to vector<64x32xi32>
        %select_n3A_291 = arith.select %eq3A_279, %get3A_290, %select_n3A_276 : vector<64x32xi1>, vector<64x32xi32>
        %eq3A_292 = arith.constant 9 : i32
        %eq3A_293 = vector.broadcast %eq3A_292 : i32 to vector<64x32xi32>
        %eq3A_294 = arith.cmpi eq, %scan3A_153, %eq3A_293 : vector<64x32xi32>
        %get3A_295 = arith.constant 9 : index
        %get3A_296 = arith.constant 0 : index
        %get3A_297 = arith.constant 0 : index
        %get3A_298 = vector.load %arg9[%get3A_295, %get3A_296, %get3A_297] : memref<12x64x32xf32, #tpu.memory_space<vmem>>, vector<1x64x32xf32>
        %get3A_299 = vector.shape_cast %get3A_298 : vector<1x64x32xf32> to vector<64x32xf32>
        %select_n3A_300 = arith.select %eq3A_294, %get3A_299, %select_n3A_285 : vector<64x32xi1>, vector<64x32xf32>
        %get3A_301 = arith.constant 9 : index
        %get3A_302 = arith.constant 0 : index
        %get3A_303 = arith.constant 0 : index
        %get3A_304 = vector.load %arg10[%get3A_301, %get3A_302, %get3A_303] : memref<12x64x32xi32, #tpu.memory_space<vmem>>, vector<1x64x32xi32>
        %get3A_305 = vector.shape_cast %get3A_304 : vector<1x64x32xi32> to vector<64x32xi32>
        %select_n3A_306 = arith.select %eq3A_294, %get3A_305, %select_n3A_291 : vector<64x32xi1>, vector<64x32xi32>
        %eq3A_307 = arith.constant 10 : i32
        %eq3A_308 = vector.broadcast %eq3A_307 : i32 to vector<64x32xi32>
        %eq3A_309 = arith.cmpi eq, %scan3A_153, %eq3A_308 : vector<64x32xi32>
        %get3A_310 = arith.constant 10 : index
        %get3A_311 = arith.constant 0 : index
        %get3A_312 = arith.constant 0 : index
        %get3A_313 = vector.load %arg9[%get3A_310, %get3A_311, %get3A_312] : memref<12x64x32xf32, #tpu.memory_space<vmem>>, vector<1x64x32xf32>
        %get3A_314 = vector.shape_cast %get3A_313 : vector<1x64x32xf32> to vector<64x32xf32>
        %select_n3A_315 = arith.select %eq3A_309, %get3A_314, %select_n3A_300 : vector<64x32xi1>, vector<64x32xf32>
        %get3A_316 = arith.constant 10 : index
        %get3A_317 = arith.constant 0 : index
        %get3A_318 = arith.constant 0 : index
        %get3A_319 = vector.load %arg10[%get3A_316, %get3A_317, %get3A_318] : memref<12x64x32xi32, #tpu.memory_space<vmem>>, vector<1x64x32xi32>
        %get3A_320 = vector.shape_cast %get3A_319 : vector<1x64x32xi32> to vector<64x32xi32>
        %select_n3A_321 = arith.select %eq3A_309, %get3A_320, %select_n3A_306 : vector<64x32xi1>, vector<64x32xi32>
        %eq3A_322 = arith.constant 11 : i32
        %eq3A_323 = vector.broadcast %eq3A_322 : i32 to vector<64x32xi32>
        %eq3A_324 = arith.cmpi eq, %scan3A_153, %eq3A_323 : vector<64x32xi32>
        %get3A_325 = arith.constant 11 : index
        %get3A_326 = arith.constant 0 : index
        %get3A_327 = arith.constant 0 : index
        %get3A_328 = vector.load %arg9[%get3A_325, %get3A_326, %get3A_327] : memref<12x64x32xf32, #tpu.memory_space<vmem>>, vector<1x64x32xf32>
        %get3A_329 = vector.shape_cast %get3A_328 : vector<1x64x32xf32> to vector<64x32xf32>
        %select_n3A_330 = arith.select %eq3A_324, %get3A_329, %select_n3A_315 : vector<64x32xi1>, vector<64x32xf32>
        %get3A_331 = arith.constant 11 : index
        %get3A_332 = arith.constant 0 : index
        %get3A_333 = arith.constant 0 : index
        %get3A_334 = vector.load %arg10[%get3A_331, %get3A_332, %get3A_333] : memref<12x64x32xi32, #tpu.memory_space<vmem>>, vector<1x64x32xi32>
        %get3A_335 = vector.shape_cast %get3A_334 : vector<1x64x32xi32> to vector<64x32xi32>
        %select_n3A_336 = arith.select %eq3A_324, %get3A_335, %select_n3A_321 : vector<64x32xi1>, vector<64x32xi32>
        %lt3A_337 = arith.constant 25 : i32
        %lt3A_338 = vector.broadcast %lt3A_337 : i32 to vector<64x32xi32>
        %lt3A_339 = arith.cmpi slt, %iota3A_79, %lt3A_338 : vector<64x32xi32>
        %broadcast_in_dim3A_340 = vector.broadcast %scan3A_92 : f32 to vector<64x32xf32>
        %select_n3A_341 = arith.select %lt3A_339, %select_n3A_330, %broadcast_in_dim3A_340 : vector<64x32xi1>, vector<64x32xf32>
        %reduce_max3A_342 = arith.constant dense<0xFF800000> : vector<64xf32>
        %reduce_max3A_343 = vector.multi_reduction <maximumf>, %select_n3A_341, %reduce_max3A_342 [1] : vector<64x32xf32> to vector<64xf32>
        %broadcast_in_dim3A_344 = vector.shape_cast %reduce_max3A_343 : vector<64xf32> to vector<64x1xf32>
        %eq3A_345 = vector.broadcast %broadcast_in_dim3A_344 : vector<64x1xf32> to vector<64x32xf32>
        %eq3A_346 = arith.cmpf oeq, %select_n3A_341, %eq3A_345 : vector<64x32xf32>
        %jit3A_347 = arith.constant 32 : i32
        %broadcast_in_dim3A_348 = vector.broadcast %jit3A_347 : i32 to vector<64x32xi32>
        %select_n3A_349 = arith.select %eq3A_346, %iota3A_79, %broadcast_in_dim3A_348 : vector<64x32xi1>, vector<64x32xi32>
        %reduce_min3A_350 = arith.constant dense<2147483647> : vector<64xi32>
        %reduce_min3A_351 = vector.multi_reduction <minsi>, %select_n3A_349, %reduce_min3A_350 [1] : vector<64x32xi32> to vector<64xi32>
        %broadcast_in_dim3A_352 = vector.shape_cast %reduce_min3A_351 : vector<64xi32> to vector<64x1xi32>
        %eq3A_353 = vector.broadcast %broadcast_in_dim3A_352 : vector<64x1xi32> to vector<64x32xi32>
        %eq3A_354 = arith.cmpi eq, %iota3A_79, %eq3A_353 : vector<64x32xi32>
        %jit3A_355 = arith.constant 0 : i32
        %broadcast_in_dim3A_356 = vector.broadcast %jit3A_355 : i32 to vector<64x32xi32>
        %select_n3A_357 = arith.select %eq3A_354, %select_n3A_336, %broadcast_in_dim3A_356 : vector<64x32xi1>, vector<64x32xi32>
        %reduce_sum3A_358 = arith.constant dense<0> : vector<64xi32>
        %reduce_sum3A_359 = vector.multi_reduction <add>, %select_n3A_357, %reduce_sum3A_358 [1] : vector<64x32xi32> to vector<64xi32>
        %broadcast_in_dim3A_360 = vector.shape_cast %reduce_sum3A_359 : vector<64xi32> to vector<64x1xi32>
        %add3A_361 = arith.constant 1 : i32
        %add3A_362 = vector.broadcast %add3A_361 : i32 to vector<64x32xi32>
        %add3A_363 = arith.addi %scan3A_153, %add3A_362 : vector<64x32xi32>
        %select_n3A_364 = arith.select %eq3A_354, %add3A_363, %scan3A_153 : vector<64x32xi1>, vector<64x32xi32>
        %eq3A_365 = vector.broadcast %scan3A_150 : i32 to vector<64x50xi32>
        %eq3A_366 = arith.cmpi eq, %iota3A_78, %eq3A_365 : vector<64x50xi32>
        %broadcast_in_dim3A_367 = vector.shape_cast %broadcast_in_dim3A_344 : vector<64x1xf32> to vector<64x1xf32>
        %broadcast_in_dim3A_368 = vector.broadcast %broadcast_in_dim3A_367 : vector<64x1xf32> to vector<64x50xf32>
        %select_n3A_369 = arith.select %eq3A_366, %broadcast_in_dim3A_368, %scan3A_151 : vector<64x50xi1>, vector<64x50xf32>
        %broadcast_in_dim3A_370 = vector.shape_cast %broadcast_in_dim3A_360 : vector<64x1xi32> to vector<64x1xi32>
        %broadcast_in_dim3A_371 = vector.broadcast %broadcast_in_dim3A_370 : vector<64x1xi32> to vector<64x50xi32>
        %select_n3A_372 = arith.select %eq3A_366, %broadcast_in_dim3A_371, %scan3A_152 : vector<64x50xi1>, vector<64x50xi32>
        scf.yield %select_n3A_369, %select_n3A_372, %select_n3A_364 : vector<64x50xf32>, vector<64x50xi32>, vector<64x32xi32>
      }
      %scan3A_98 = arith.constant 50 : i32
      %ge3A = arith.constant 12 : i32
      %ge3A_99 = vector.broadcast %ge3A : i32 to vector<64x32xi32>
      %ge3A_100 = arith.cmpi sge, %scan3A_97#2, %ge3A_99 : vector<64x32xi32>
      %reduce_or3A = arith.constant 1.000000e+00 : f32
      %reduce_or3A_101 = arith.constant 0.000000e+00 : f32
      %reduce_or3A_102 = vector.broadcast %reduce_or3A : f32 to vector<64x32xf32>
      %reduce_or3A_103 = vector.broadcast %reduce_or3A_101 : f32 to vector<64x32xf32>
      %reduce_or3A_104 = arith.select %ge3A_100, %reduce_or3A_102, %reduce_or3A_103 : vector<64x32xi1>, vector<64x32xf32>
      %reduce_or3A_105 = vector.shape_cast %reduce_or3A_104 : vector<64x32xf32> to vector<1x64x32xf32>
      %reduce_or3A_106 = arith.constant dense<0xFF800000> : vector<1xf32>
      %reduce_or3A_107 = vector.multi_reduction <maximumf>, %reduce_or3A_105, %reduce_or3A_106 [1, 2] : vector<1x64x32xf32> to vector<1xf32>
      %reduce_or3A_108 = vector.shape_cast %reduce_or3A_107 : vector<1xf32> to vector<1x1x1xf32>
      %reduce_or3A_109 = vector.extract %reduce_or3A_108[0, 0, 0] : f32 from vector<1x1x1xf32>
      %reduce_or3A_110 = arith.constant 0.000000e+00 : f32
      %reduce_or3A_111 = arith.cmpf ogt, %reduce_or3A_109, %reduce_or3A_110 : f32
      %convert_element_type3A_112 = arith.extui %reduce_or3A_111 : i1 to i32
      %cond3A_113 = arith.constant 0xFF800000 : f32
      %cond3A_114 = arith.constant 0 : i32
      %cond3A_115 = arith.cmpi ne, %convert_element_type3A_112, %cond3A_114 : i32
      %cond3A_116:2 = scf.if %cond3A_115 -> (vector<64x50xf32>, vector<64x50xi32>) {
        %broadcast_in_dim3A_150 = arith.constant 0.000000e+00 : f32
        %broadcast_in_dim3A_151 = vector.broadcast %broadcast_in_dim3A_150 : f32 to vector<64x50xf32>
        %broadcast_in_dim3A_152 = arith.constant 0 : i32
        %broadcast_in_dim3A_153 = vector.broadcast %broadcast_in_dim3A_152 : i32 to vector<64x50xi32>
        %broadcast_in_dim3A_154 = arith.constant -1 : i32
        %broadcast_in_dim3A_155 = vector.broadcast %broadcast_in_dim3A_154 : i32 to vector<64x1xi32>
        %scan3A_156 = arith.constant 0 : i32
        %scan3A_157 = arith.constant 50 : i32
        %scan3A_158 = arith.addi %scan3A_156, %scan3A_157 : i32
        %scan3A_159 = arith.constant 1 : i32
        %scan3A_160:3 = scf.for %scan3A_162 = %scan3A_156 to %scan3A_158 step %scan3A_159 iter_args(%scan3A_163 = %broadcast_in_dim3A_151, %scan3A_164 = %broadcast_in_dim3A_153, %scan3A_165 = %broadcast_in_dim3A_155) -> (vector<64x50xf32>, vector<64x50xi32>, vector<64x1xi32>)  : i32 {
          %broadcast_in_dim3A_166 = vector.broadcast %cond3A_113 : f32 to vector<64x1xf32>
          %broadcast_in_dim3A_167 = arith.constant 0 : i32
          %broadcast_in_dim3A_168 = vector.broadcast %broadcast_in_dim3A_167 : i32 to vector<64x1xi32>
          %scan3A_169 = arith.constant 0 : i32
          %scan3A_170 = arith.constant 25 : i32
          %scan3A_171 = arith.addi %scan3A_169, %scan3A_170 : i32
          %scan3A_172 = arith.constant 1 : i32
          %scan3A_173:2 = scf.for %scan3A_183 = %scan3A_169 to %scan3A_171 step %scan3A_172 iter_args(%scan3A_184 = %broadcast_in_dim3A_166, %scan3A_185 = %broadcast_in_dim3A_168) -> (vector<64x1xf32>, vector<64x1xi32>)  : i32 {
            %get3A_186 = arith.index_cast %scan3A_183 : i32 to index
            %get3A_187 = arith.constant 0 : index
            %get3A_188 = arith.constant 0 : index
            %get3A_189 = vector.load %arg7[%get3A_186, %get3A_187, %get3A_188] : memref<25x64x2048xf32, #tpu.memory_space<vmem>>, vector<1x64x2048xf32>
            %get3A_190 = vector.shape_cast %get3A_189 : vector<1x64x2048xf32> to vector<64x2048xf32>
            %mul3A_191 = arith.constant 2048 : i32
            %mul3A_192 = arith.muli %scan3A_183, %mul3A_191 : i32
            %sub3A = vector.broadcast %mul3A_192 : i32 to vector<64x1xi32>
            %sub3A_193 = arith.subi %scan3A_165, %sub3A : vector<64x1xi32>
            %eq3A_194 = vector.broadcast %sub3A_193 : vector<64x1xi32> to vector<64x2048xi32>
            %eq3A_195 = arith.cmpi eq, %iota3A, %eq3A_194 : vector<64x2048xi32>
            %broadcast_in_dim3A_196 = vector.broadcast %cond3A_113 : f32 to vector<64x2048xf32>
            %select_n3A_197 = arith.select %eq3A_195, %broadcast_in_dim3A_196, %get3A_190 : vector<64x2048xi1>, vector<64x2048xf32>
            %swap3A_198 = arith.index_cast %scan3A_183 : i32 to index
            %swap3A_199 = arith.constant 0 : index
            %swap3A_200 = arith.constant 0 : index
            %swap3A_201 = vector.load %arg7[%swap3A_198, %swap3A_199, %swap3A_200] : memref<25x64x2048xf32, #tpu.memory_space<vmem>>, vector<1x64x2048xf32>
            %swap3A_202 = vector.shape_cast %swap3A_201 : vector<1x64x2048xf32> to vector<64x2048xf32>
            %swap3A_203 = vector.shape_cast %select_n3A_197 : vector<64x2048xf32> to vector<1x64x2048xf32>
            tpu.vector_store %arg7[%swap3A_198, %swap3A_199, %swap3A_200], %swap3A_203 {strides = array<i32>} : memref<25x64x2048xf32, #tpu.memory_space<vmem>>, vector<1x64x2048xf32>,
            %reduce_max3A_204 = arith.constant dense<0xFF800000> : vector<64xf32>
            %reduce_max3A_205 = vector.multi_reduction <maximumf>, %select_n3A_197, %reduce_max3A_204 [1] : vector<64x2048xf32> to vector<64xf32>
            %broadcast_in_dim3A_206 = vector.shape_cast %reduce_max3A_205 : vector<64xf32> to vector<64x1xf32>
            %eq3A_207 = vector.broadcast %broadcast_in_dim3A_206 : vector<64x1xf32> to vector<64x2048xf32>
            %eq3A_208 = arith.cmpf oeq, %select_n3A_197, %eq3A_207 : vector<64x2048xf32>
            %jit3A_209 = arith.constant 2048 : i32
            %broadcast_in_dim3A_210 = vector.broadcast %jit3A_209 : i32 to vector<64x2048xi32>
            %select_n3A_211 = arith.select %eq3A_208, %iota3A, %broadcast_in_dim3A_210 : vector<64x2048xi1>, vector<64x2048xi32>
            %reduce_min3A_212 = arith.constant dense<2147483647> : vector<64xi32>
            %reduce_min3A_213 = vector.multi_reduction <minsi>, %select_n3A_211, %reduce_min3A_212 [1] : vector<64x2048xi32> to vector<64xi32>
            %broadcast_in_dim3A_214 = vector.shape_cast %reduce_min3A_213 : vector<64xi32> to vector<64x1xi32>
            %mul3A_215 = arith.constant 2048 : i32
            %mul3A_216 = arith.muli %scan3A_183, %mul3A_215 : i32
            %add3A_217 = vector.broadcast %mul3A_216 : i32 to vector<64x1xi32>
            %add3A_218 = arith.addi %broadcast_in_dim3A_214, %add3A_217 : vector<64x1xi32>
            %gt3A_219 = arith.cmpf ogt, %broadcast_in_dim3A_206, %scan3A_184 : vector<64x1xf32>
            %max3A = arith.maximumf %scan3A_184, %broadcast_in_dim3A_206 : vector<64x1xf32>
            %select_n3A_220 = arith.select %gt3A_219, %add3A_218, %scan3A_185 : vector<64x1xi1>, vector<64x1xi32>
            scf.yield %max3A, %select_n3A_220 : vector<64x1xf32>, vector<64x1xi32>
          }
          %scan3A_174 = arith.constant 25 : i32
          %eq3A_175 = vector.broadcast %scan3A_162 : i32 to vector<64x50xi32>
          %eq3A_176 = arith.cmpi eq, %iota3A_78, %eq3A_175 : vector<64x50xi32>
          %broadcast_in_dim3A_177 = vector.shape_cast %scan3A_173#0 : vector<64x1xf32> to vector<64x1xf32>
          %broadcast_in_dim3A_178 = vector.broadcast %broadcast_in_dim3A_177 : vector<64x1xf32> to vector<64x50xf32>
          %select_n3A_179 = arith.select %eq3A_176, %broadcast_in_dim3A_178, %scan3A_163 : vector<64x50xi1>, vector<64x50xf32>
          %broadcast_in_dim3A_180 = vector.shape_cast %scan3A_173#1 : vector<64x1xi32> to vector<64x1xi32>
          %broadcast_in_dim3A_181 = vector.broadcast %broadcast_in_dim3A_180 : vector<64x1xi32> to vector<64x50xi32>
          %select_n3A_182 = arith.select %eq3A_176, %broadcast_in_dim3A_181, %scan3A_164 : vector<64x50xi1>, vector<64x50xi32>
          scf.yield %select_n3A_179, %select_n3A_182, %scan3A_173#1 : vector<64x50xf32>, vector<64x50xi32>, vector<64x1xi32>
        }
        %scan3A_161 = arith.constant 50 : i32
        scf.yield %scan3A_160#0, %scan3A_160#1 : vector<64x50xf32>, vector<64x50xi32>
      } else {
        scf.yield %scan3A_97#0, %scan3A_97#1 : vector<64x50xf32>, vector<64x50xi32>
      }
      %add3A_117 = arith.constant 9.99999968E-21 : f32
      %add3A_118 = vector.broadcast %add3A_117 : f32 to vector<64x50xf32>
      %add3A_119 = arith.addf %cond3A_116#0, %add3A_118 : vector<64x50xf32>
      %log3A = math.log %add3A_119 : vector<64x50xf32>
      %get3A_120 = arith.constant 0 : index
      %get3A_121 = arith.constant 0 : index
      %get3A_122 = vector.load %arg3[%get3A_120, %get3A_121] : memref<64x50xf32, #tpu.memory_space<vmem>>, vector<64x50xf32>
      %add3A_123 = arith.addf %log3A, %get3A_122 : vector<64x50xf32>
      %reduce_max3A_124 = arith.constant dense<0xFF800000> : vector<64xf32>
      %reduce_max3A_125 = vector.multi_reduction <maximumf>, %add3A_123, %reduce_max3A_124 [1] : vector<64x50xf32> to vector<64xf32>
      %broadcast_in_dim3A_126 = vector.shape_cast %reduce_max3A_125 : vector<64xf32> to vector<64x1xf32>
      %eq3A_127 = vector.broadcast %broadcast_in_dim3A_126 : vector<64x1xf32> to vector<64x50xf32>
      %eq3A_128 = arith.cmpf oeq, %add3A_123, %eq3A_127 : vector<64x50xf32>
      %jit3A_129 = arith.constant 50 : i32
      %broadcast_in_dim3A_130 = vector.broadcast %jit3A_129 : i32 to vector<64x50xi32>
      %select_n3A_131 = arith.select %eq3A_128, %iota3A_78, %broadcast_in_dim3A_130 : vector<64x50xi1>, vector<64x50xi32>
      %reduce_min3A = arith.constant dense<2147483647> : vector<64xi32>
      %reduce_min3A_132 = vector.multi_reduction <minsi>, %select_n3A_131, %reduce_min3A [1] : vector<64x50xi32> to vector<64xi32>
      %broadcast_in_dim3A_133 = vector.shape_cast %reduce_min3A_132 : vector<64xi32> to vector<64x1xi32>
      %eq3A_134 = vector.broadcast %broadcast_in_dim3A_133 : vector<64x1xi32> to vector<64x50xi32>
      %eq3A_135 = arith.cmpi eq, %iota3A_78, %eq3A_134 : vector<64x50xi32>
      %jit3A_136 = arith.constant 0 : i32
      %broadcast_in_dim3A_137 = vector.broadcast %jit3A_136 : i32 to vector<64x50xi32>
      %select_n3A_138 = arith.select %eq3A_135, %cond3A_116#1, %broadcast_in_dim3A_137 : vector<64x50xi1>, vector<64x50xi32>
      %reduce_sum3A = arith.constant dense<0> : vector<64xi32>
      %reduce_sum3A_139 = vector.multi_reduction <add>, %select_n3A_138, %reduce_sum3A [1] : vector<64x50xi32> to vector<64xi32>
      %broadcast_in_dim3A_140 = vector.shape_cast %reduce_sum3A_139 : vector<64xi32> to vector<64x1xi32>
      %swap3A_141 = arith.constant 0 : index
      %swap3A_142 = arith.constant 0 : index
      %swap3A_143 = vector.load %arg4[%swap3A_141, %swap3A_142] : memref<64x1xi32, #tpu.memory_space<vmem>>, vector<64x1xi32>
      tpu.vector_store %arg4[%swap3A_141, %swap3A_142], %broadcast_in_dim3A_140 {strides = array<i32>} : memref<64x1xi32, #tpu.memory_space<vmem>>, vector<64x1xi32>,
      %swap3A_144 = arith.constant 0 : index
      %swap3A_145 = arith.constant 0 : index
      %swap3A_146 = vector.load %arg5[%swap3A_144, %swap3A_145] : memref<64x50xf32, #tpu.memory_space<vmem>>, vector<64x50xf32>
      tpu.vector_store %arg5[%swap3A_144, %swap3A_145], %cond3A_116#0 {strides = array<i32>} : memref<64x50xf32, #tpu.memory_space<vmem>>, vector<64x50xf32>,
      %swap3A_147 = arith.constant 0 : index
      %swap3A_148 = arith.constant 0 : index
      %swap3A_149 = vector.load %arg6[%swap3A_147, %swap3A_148] : memref<64x50xi32, #tpu.memory_space<vmem>>, vector<64x50xi32>
      tpu.vector_store %arg6[%swap3A_147, %swap3A_148], %cond3A_116#1 {strides = array<i32>} : memref<64x50xi32, #tpu.memory_space<vmem>>, vector<64x50xi32>,
    } else {
    }
    return
  }
  func.func @transform_0(%arg0: i32) -> (i32, i32) {
    %c0_i32 = arith.constant 0 : i32
    %c0_i32_0 = arith.constant 0 : i32
    %c0_i32_1 = arith.constant 0 : i32
    return %c0_i32, %c0_i32_0 : i32, i32
  }
  func.func @transform_1(%arg0: i32) -> (i32, i32) {
    %c0_i32 = arith.constant 0 : i32
    %c0_i32_0 = arith.constant 0 : i32
    return %c0_i32, %arg0 : i32, i32
  }
  func.func @transform_2(%arg0: i32) -> (i32, i32) {
    %c0_i32 = arith.constant 0 : i32
    %c0_i32_0 = arith.constant 0 : i32
    %c0_i32_1 = arith.constant 0 : i32
    return %c0_i32, %c0_i32_0 : i32, i32
  }
  func.func @transform_3(%arg0: i32) -> (i32, i32) {
    %c0_i32 = arith.constant 0 : i32
    %c0_i32_0 = arith.constant 0 : i32
    %c0_i32_1 = arith.constant 0 : i32
    return %c0_i32, %c0_i32_0 : i32, i32
  }
  func.func @transform_4(%arg0: i32) -> (i32, i32) {
    %c0_i32 = arith.constant 0 : i32
    %c0_i32_0 = arith.constant 0 : i32
    %c0_i32_1 = arith.constant 0 : i32
    return %c0_i32, %c0_i32_0 : i32, i32
  }
  func.func @transform_5(%arg0: i32) -> (i32, i32) {
    %c0_i32 = arith.constant 0 : i32
    %c0_i32_0 = arith.constant 0 : i32
    %c0_i32_1 = arith.constant 0 : i32
    return %c0_i32, %c0_i32_0 : i32, i32
  }
}

</mosaic_0001>

<sc_bundles>
// kernel: kernel.4.cloned.1.call-start
scs
__scs_entry_jumppad:
0x0: {  	(pc) =	sbr.rel $0x88, $3  }
0x1: {  	(tag) =	ssettag $0x0;
	lr =	simm.s32 $0x1  }
0x2: {  	[smem:$0x3F9E] =	sst lr;
	_ =	strace $0xD0000000  }
0x3: {  	_ = 	snop  }
0x4: {  	_ = 	snop  }
0x5: {  	_ = 	snop  }
0x6: {  	_ = 	snop  }
0x7: {  	_ = 	snop  }
__scs_overlays_trampoline_lowered:
0x8: {  	[smem:$0x3FAD] =	sst s0  }
0x9: {  	[smem:$0x3FAE] =	sst s1  }
0xa: {  	[smem:$0x3FAF] =	sst s2  }
0xb: {  	[smem:$0x3FB0] =	sst s3  }
0xc: {  	[smem:$0x3FB1] =	sst s4  }
0xd: {  	[smem:$0x3FB2] =	sst s5  }
0xe: {  	[smem:$0x3FB3] =	sst s6  }
0xf: {  	[smem:$0x3FB4] =	sst s7  }
0x10: {  	[smem:$0x3FB5] =	sst s8  }
0x11: {  	[smem:$0x3FB6] =	sst s9;
	s0 =	simm.s32 @!p0 $0x0  }
0x12: {  	s1 =	sld [smem:$0x3F9C];
	s0 =	simm.s32 @p0 $0x1  }
0x13: {  	[smem:$0x3FB7] =	sst s0;
	s0 =	simm.s32 @!p1 $0x0  }
0x14: {  	s2 =	sld [smem:$0x3F9B];
	s0 =	simm.s32 @p1 $0x1  }
0x15: {  	[smem:$0x3FB8] =	sst s0;
	s0 =	simm.s32 @!p2 $0x0  }
0x16: {  	s3 =	sld [smem:$0x3FDB];
	s0 =	simm.s32 @p2 $0x1  }
0x17: {  	s4 =	simm.s32 $0x1BF5;
	[smem:$0x3FBA] =	sst s0  }
0x18: {  	s0 =	sld [smem:$0x3F9D];
	_ =	swait.ge [sflag:s4], $0x0  }
0x19: {  	s7 =	sld [smem:$0x3F9E]  }
0x1a: {  	s8 =	sadd.s32 $0xFFFFE003, lr  }
0x1b: {  	s9 =	sadd.s32 $0xFFFFFEF7, lr;
	s5 =	simm.s32 $0xFFFFFFFF;
	p2 =	slt.u32 s8, $0xFFFFF086  }
0x1c: {  	p1 =	slt.u32 s9, $0xF7A;
	s5 =	simm.s32 @!p2 $0x0  }
0x1d: {  	s5 =	simm.s32 @p1 $0x1;
	p0 =	seq.s32 s7, s2  }
0x1e: {  	s7 =	smul.u32 @!p0 $0xF7A, s2;
	p2 =	seq.s32 @!p0 s5, $0x0  }
0x1f: {  	s9 =	smul.u32 $0xF7A, s1;
	s8 =	simm.s32 @!p0 $0x1BF5;
	p2 =	por !p2, p0  }
0x20: {  	[sflag:s8] =	ssyncset.s32 @!p0 $0xFFFFF086;
	s6 =	sadd.s32 @!p0 s3, s7;
	s7 =	simm.s32 @!p0 $0x108  }
0x21: {  	s3 =	sadd.s32 s3, s9;
	s6 =	sadd.s32 @!p0 $0x88, s6;
	s7 =	simm.s32 @p2 $0x1082  }
0x22: {  	[simem:s7], [sflag:s8] =	dma.local @!p0 [hbm:s6], $0xF7A  }
0x23: {  	s9 =	sor.u32 $0xD0000000, s2;
	s6 =	simm.s32 $0x108;
	_ =	swait.ge @!p0 [sflag:s8], $0x0  }
0x24: {  	s3 =	sadd.s32 $0x88, s3;
	s6 =	simm.s32 @!p1 $0x1082;
	[sflag:s4] =	ssyncset.s32 $0xFFFFF086  }
0x25: {  	[simem:s6], [sflag:s4] =	dma.local [hbm:s3], $0xF7A  }
0x26: {  	[smem:$0x3F9E] =	sst s1;
	(tag) =	ssettag s2;
	_ =	strace s9  }
0x27: {  	s1 =	sld [smem:$0x3FAE]  }
0x28: {  	s2 =	sld [smem:$0x3FAF]  }
0x29: {  	s4 =	sld [smem:$0x3FB1]  }
0x2a: {  	p0 =	seq.s32 s5, $0x0;
	s5 =	sld [smem:$0x3FB2]  }
0x2b: {  	s6 =	sld [smem:$0x3FB3]  }
0x2c: {  	s7 =	sld [smem:$0x3FB4]  }
0x2d: {  	s3 =	simm.s32 $0x108;
	s8 =	sld [smem:$0x3FB5]  }
0x2e: {  	s3 =	simm.s32 @!p0 $0x1082;
	s9 =	sld [smem:$0x3FB6]  }
0x2f: {  	lr =	sadd.s32 s0, s3;
	s0 =	sld [smem:$0x3FAD]  }
0x30: {  	s3 =	sld [smem:$0x3FB0]  }
0x31: {  	[smem:$0x3FB9] =	sst s10  }
0x32: {  	s10 =	sld [smem:$0x3FB7];
	_ =	sdelay $0x3  }
0x33: {  	p0 =	seq.s32 s10, $0x1;
	s10 =	sld [smem:$0x3FB9];
	_ =	sdelay $0x3  }
0x34: {  	[smem:$0x3FB9] =	sst s10  }
0x35: {  	s10 =	sld [smem:$0x3FB8];
	_ =	sdelay $0x3  }
0x36: {  	p1 =	seq.s32 s10, $0x1;
	s10 =	sld [smem:$0x3FB9];
	_ =	sdelay $0x3  }
0x37: {  	[smem:$0x3FB9] =	sst s10  }
0x38: {  	s10 =	sld [smem:$0x3FBA]  }
0x39: {  	_ = 	snop;
	(pc) =	sbr.ind lr, $3  }
0x3a: {  	_ = 	snop  }
0x3b: {  	_ = 	snop  }
0x3c: {  	p2 =	seq.s32 s10, $0x1;
	s10 =	sld [smem:$0x3FB9]  }
0x3d: {  	_ =	shalt  }
0x3e: {  	_ =	shalt  }
0x3f: {  	_ =	shalt  }
0x40: {  	_ =	shalt  }
0x41: {  	_ =	shalt  }
0x42: {  	_ =	shalt  }
0x43: {  	_ =	shalt  }
0x44: {  	_ =	shalt  }
0x45: {  	_ =	shalt  }
0x46: {  	_ =	shalt  }
0x47: {  	_ =	shalt  }
0x48: {  	_ =	shalt  }
0x49: {  	_ =	shalt  }
0x4a: {  	_ =	shalt  }
0x4b: {  	_ =	shalt  }
0x4c: {  	_ =	shalt  }
0x4d: {  	_ =	shalt  }
0x4e: {  	_ =	shalt  }
0x4f: {  	_ =	shalt  }
0x50: {  	_ =	shalt  }
0x51: {  	_ =	shalt  }
0x52: {  	_ =	shalt  }
0x53: {  	_ =	shalt  }
0x54: {  	_ =	shalt  }
0x55: {  	_ =	shalt  }
0x56: {  	_ =	shalt  }
0x57: {  	_ =	shalt  }
0x58: {  	_ =	shalt  }
0x59: {  	_ =	shalt  }
0x5a: {  	_ =	shalt  }
0x5b: {  	_ =	shalt  }
0x5c: {  	_ =	shalt  }
0x5d: {  	_ =	shalt  }
0x5e: {  	_ =	shalt  }
0x5f: {  	_ =	shalt  }
0x60: {  	_ =	shalt  }
0x61: {  	_ =	shalt  }
0x62: {  	_ =	shalt  }
0x63: {  	_ =	shalt  }
0x64: {  	_ =	shalt  }
0x65: {  	_ =	shalt  }
0x66: {  	_ =	shalt  }
0x67: {  	_ =	shalt  }
0x68: {  	_ =	shalt  }
0x69: {  	_ =	shalt  }
0x6a: {  	_ =	shalt  }
0x6b: {  	_ =	shalt  }
0x6c: {  	_ =	shalt  }
0x6d: {  	_ =	shalt  }
0x6e: {  	_ =	shalt  }
0x6f: {  	_ =	shalt  }
0x70: {  	_ =	shalt  }
0x71: {  	_ =	shalt  }
0x72: {  	_ =	shalt  }
0x73: {  	_ =	shalt  }
0x74: {  	_ =	shalt  }
0x75: {  	_ =	shalt  }
0x76: {  	_ =	shalt  }
0x77: {  	_ =	shalt  }
0x78: {  	_ =	shalt  }
0x79: {  	_ =	shalt  }
0x7a: {  	_ =	shalt  }
0x7b: {  	_ =	shalt  }
0x7c: {  	_ =	shalt  }
0x7d: {  	_ =	shalt  }
0x7e: {  	_ =	shalt  }
0x7f: {  	_ =	shalt  }
0x80: {  	_ =	shalt  }
0x81: {  	_ =	shalt  }
0x82: {  	_ =	shalt  }
0x83: {  	_ =	shalt  }
0x84: {  	_ =	shalt  }
0x85: {  	_ =	shalt  }
0x86: {  	_ =	shalt  }
0x87: {  	_ =	shalt  }
.Lfunc_end0:
.L_simem_size_0:
called_computation_lowered:
.L_overlay_start_0:
0x88: {  	s2 =	sld [smem:$0x3FD9]  }
0x89: {  	s3 =	sld [smem:$0x3FFE];
	_ =	sdelay $0x1  }
0x8a: {  	s1 =	srdreg.scid  }
0x8b: {  	s0 =	sand.u32 $0x1, s1  }
0x8c: {  	s14 =	sshll.u32 s0, $0xA;
	s2 =	sadd.s32 s3, s2  }
0x8d: {  	s2 =	sadd.s32 s2, s14  }
0x8e: {  	[smem:$0x3FC5] =	sst s2  }
0x8f: {  	_ = 	snop  }
0x90: {  	s2 =	sld [smem:$0x3FD0];
	_ =	sdelay $0x2  }
0x91: {  	s4 =	simm.s32 $0xA;
	s5 =	simm.s32 $0x10;
	s15 =	sld [smem:$0x3FC8]  }
0x92: {  	[smem:s5], [sflag:s4] =	dma.local [hbm:s2], $0x1  }
0x93: {  	_ =	swait.eq [sflag:s4], $0x1  }
0x94: {  	[sflag:s4] =	ssyncset.done $0x0  }
0x95: {  	[sflag:s4] =	ssyncadd.s32 $0xFFFFFFFF  }
0x96: {  	s16 =	sld [smem:$0x10];
	(tm) =	ssettm $0x1  }
0x97: {  	s17 =	sld [smem:$0x3FFB];
	_ =	sdelay $0x3  }
0x98: {  	_ =	strace s17  }
0x99: {  	s4 =	sld [smem:$0x3FFC];
	_ =	sdelay $0x3  }
0x9a: {  	_ =	strace s4  }
0x9b: {  	s4 =	sld [smem:$0x3FFD];
	_ =	sdelay $0x3  }
0x9c: {  	_ =	strace s4  }
0x9d: {  	_ =	strace $0x8FFFFFFF  }
0x9e: {  	s18 =	sld [smem:$0x3FDB];
	_ =	sdelay $0x1  }
0x9f: {  	s19 =	simm.s32 $_scs_section_size  }
0xa0: {  	s6 =	simm.s32 $_size__tile_overlayer_lowered;
	s7 =	simm.s32 $_tile_overlayer_lowered  }
0xa1: {  	s22 =	simm.s32 $0x1BFF;
	s21 =	sshll.u32 s7, $0x1;
	s4 =	sadd.s32 s19, s18  }
0xa2: {  	s8 =	simm.s32 $0x0;
	s20 =	sshll.u32 s6, $0x1;
	s6 =	sadd.s32 s21, s4  }
0xa3: {  	[timem:s8], [sflag:s22] =	dma.local [hbm:s6], s20  }
0xa4: {  	_ =	swait.ge [sflag:s22], s20  }
0xa5: {  	s5 =	ssub.s32 $0x0, s20;
	[sflag:s22] =	ssyncset.done $0x0  }
0xa6: {  	[sflag:s22] =	ssyncadd.s32 s5;
	_ =	sdelay $0x1  }
0xa7: {  	s23 =	simm.s32 $0x1B8B  }
0xa8: {  	_ =	swait.ge [sflag:s23], $0x1  }
0xa9: {  	[sflag:s23] =	ssyncset.done $0x0  }
0xaa: {  	s25 =	simm.s32 $0x1B8E;
	s24 =	sld [smem:$0x3FFE];
	[sflag:s23] =	ssyncadd.s32 $0xFFFFFFFF  }
0xab: {  	s26 =	simm.s32 $execute0_lowered;
	[smem:$0x3FD2] =	sst s25  }
0xac: {  	s6 =	sshll.u32 s26, $0x1;
	_ =	strace $0x80000046;
	[dreg:$0x1] =	wrdreg $0xFFFFFFFF  }
0xad: {  	s28 =	simm.s32 $_size_execute0_lowered;
	s4 =	sadd.s32 s4, s6;
	[dreg:$0x0] =	wrdreg $0x0  }
0xae: {  	s6 =	sshll.u32 s28, $0x1;
	[dreg:$0x2] =	wrdreg s4  }
0xaf: {  	[dreg:$0x3] =	wrdreg s6  }
0xb0: {  	[dreg:$0x4] =	wrdreg $0xC0  }
0xb1: {  	_ =	task [dreg:s8], $0x5FFFF  }
0xb2: {  	[dreg:$0x1] =	wrdreg $0xFFFFFFFF  }
0xb3: {  	[dreg:$0x0] =	wrdreg $0x60  }
0xb4: {  	[dreg:$0x2] =	wrdreg s16  }
0xb5: {  	[dreg:$0x3] =	wrdreg s15  }
0xb6: {  	[dreg:$0x4] =	wrdreg s24  }
0xb7: {  	[dreg:$0x5] =	wrdreg $0x9  }
0xb8: {  	_ =	task.clear_ibuf [dreg:s8], $0x6FFFF;
	_ =	strace $0x90000046  }
0xb9: {  	s29 =	simm.s32 $0x9;
	_ =	strace $0x80000048  }
0xba: {  	_ =	swait.ge [sflag:s29], $0x1  }
0xbb: {  	[sflag:s29] =	ssyncadd.s32 $0xFFFFFFFF  }
0xbc: {  	_ =	strace $0x90000048  }
0xbd: {  	_ =	sfence  }
0xbe: {  	s30 =	sld [smem:$0x0];
	_ =	sdelay $0x2  }
0xbf: {  	s31 =	sshll.u32 s1, $0xD;
	s1 =	sshrl.u32 s1, $0x2  }
0xc0: {  	s3 =	sand.u32 $0x4000, s31;
	s1 =	sadd.s32 s1, s30  }
0xc1: {  	s0 =	sor.u32 s3, s0;
	s1 =	sshll.u32 s1, $0x11  }
0xc2: {  	s0 =	sor.u32 s1, s0  }
0xc3: {  	s0 =	sadd.s32 $0x8F2B, s0  }
0xc4: {  	[sflag:s0] =	ssyncadd.remote.s32 $0x1  }
0xc5: {  	_ =	sfence.sel $0xFFFF  }
0xc6: {  	[dreg:$0x0] =	wrdreg $0xFFFFFFFF;
	(pc) =	sbr.abs _section_cstart, $3  }
0xc7: {  	[dreg:$0x1] =	wrdreg $0xFFFFFFFF  }
0xc8: {  	_ =	task.clear_ibuf [dreg:s8], $0x2FFFF;
	_ =	strace $0x9FFFFFFF  }
0xc9: {  	(tm) =	ssettm $0x7FFFFFFF  }
tec
execute0_lowered:
.L_overlay_start_1:
0x0: {  	(tag) =	ssettag $0x1  }
0x1: {  	s1 =	stileid.u32  }
0x2: {  	p0 =	sgt.u32 s1, $0x3  }
.Ltmp0:
0x3: {  	s4 =	rddreg [dreg:$0x0];
	(pc) =	sbr.rel @p0 .LBB2_4-.Ltmp0, $4  }
0x4: {  	s2 =	rddreg [dreg:$0x1]  }
0x5: {  	s12 =	rddreg [dreg:$0x2];
	s3 =	simm.s32 $0x0  }
0x6: {  	[smem:$0x7FF] =	sst s3  }
0x7: {  	s0 =	rddreg [dreg:$0x3];
	_ =	strace $0x80000047  }
0x8: {  	s5 =	srdreg.scid  }
0x9: {  	s30 =	sshll.u32 s1, $0x1;
	s10 =	sand.u32 $0x1, s5  }
0xa: {  	s6 =	sor.u32 s10, s30  }
0xb: {  	s5 =	sadd.s32 s4, s6;
	s4 =	simm.s32 $0x2  }
0xc: {  	[tilespmem:s3], [sflag:$0x2] =	stream.linear.gather [hbm4b:s5+s3], $0x8, $0x38;
	[tilespmem:$0x1880] =	vst v63  }
0xd: {  	_ =	swait.ge [sflag:s4], $0x8  }
0xe: {  	[sflag:s4] =	ssyncset.done $0x0  }
0xf: {  	[sflag:s4] =	ssyncadd.s32 $0xFFFFFFF8  }
0x10: {  	v0 =	vld.msk [tilespmem:$0x0], $0xff;
	_ =	sdelay $0x4  }
0x11: {  	v1 =	vshrl.u32 v0, $0x3  }
0x12: {  	v1 =	vmul.u32 $0x30, v1  }
0x13: {  	v2 =	vlaneseq.u32;
	v3 =	vand.u32 $0x7, v0  }
0x14: {  	v0 =	vand.u32 $0x7, v2;
	v2 =	vshrl.u32 v2, $0x3;
	v3 =	vor.u32 v3, v1  }
0x15: {  	v1 =	vmul.u32 $0x8, v2;
	v2 =	vperm.xlane v3, v0;
	_ =	sdelay $0x1  }
0x16: {  	v2 =	vadd.s32 v1, v2;
	_ =	sdelay $0x2  }
0x17: {  	s7 =	sadd.s32 $0x100, s2;
	s8 =	sadd.s32 $0x200, s2;
	s14 =	ssub.s32 $0x2, s10  }
0x18: {  	vm0 =	vmmov $0xffff;
	s13 =	smul.u32 $0x300, s6;
	s6 =	simm.s32 $0x80;
	s15 =	sshrl.u32 s14, $0x1  }
0x19: {  	[tilespmem:s6], [sflag:$0x1] =	stream.indirect_vreg.gather [hbm4b:s2+s3], $0x80, v2, vm0, $0xb8;
	[tilespmem:$0x1880] =	vst v63  }
0x1a: {  	s9 =	simm.s32 $0x880;
	s11 =	simm.s32 $0x1;
	s31 =	ssub.s32 s14, s15  }
0x1b: {  	[tilespmem:s9], [sflag:$0x1] =	stream.indirect_vreg.gather [hbm4b:s7+s3], $0x80, v2, vm0, $0xb8;
	[tilespmem:$0x1880] =	vst v63  }
0x1c: {  	s10 =	simm.s32 $0x1080;
	s12 =	sadd.s32 s13, s12;
	s13 =	smax.u32 s31, $0x1  }
0x1d: {  	[tilespmem:s10], [sflag:$0x1] =	stream.indirect_vreg.gather [hbm4b:s8+s3], $0x80, v2, vm0, $0xb8;
	[tilespmem:$0x1880] =	vst v63  }
0x1e: {  	p0 =	sne.s32 s13, $0x1;
	_ =	swait.ge [sflag:s11], $0x1800  }
.Ltmp1:
0x1f: {  	[sflag:s11] =	ssyncset.done $0x0;
	(pc) =	sbr.rel @!p0 .LBB2_3-.Ltmp1, $4  }
0x20: {  	s12 =	sadd.s32 $0x600, s12;
	[sflag:s11] =	ssyncadd.s32 $0xFFFFE800  }
0x21: {  	[hbm4b:s12+s3] =	stream.linear.scatter [tilespmem:s6], [sflag:$0x2], $0x1800, $0x38;
	[tilespmem:$0x1880] =	vst v63  }
0x22: {  	_ =	swait.ge [sflag:s4], $0x1800  }
0x23: {  	s13 =	sadd.s32 $0xFFFFFFFF, s13;
	[sflag:s4] =	ssyncset.done $0x0  }
.LBB2_2:
0x24: {  	p0 =	sne.s32 s13, $0x1;
	s13 =	sadd.s32 $0xFFFFFFFF, s13;
	[sflag:s4] =	ssyncadd.s32 $0xFFFFE800  }
0x25: {  	[tilespmem:s3], [sflag:$0x2] =	stream.linear.gather [hbm4b:s5+s3], $0x8, $0x38;
	[tilespmem:$0x1880] =	vst v63  }
0x26: {  	_ =	swait.ge [sflag:s4], $0x8  }
0x27: {  	[sflag:s4] =	ssyncset.done $0x0  }
0x28: {  	[sflag:s4] =	ssyncadd.s32 $0xFFFFFFF8  }
0x29: {  	v2 =	vld.msk [tilespmem:$0x0], $0xff;
	_ =	sdelay $0x4  }
0x2a: {  	v3 =	vshrl.u32 v2, $0x3  }
0x2b: {  	v3 =	vmul.u32 $0x30, v3  }
0x2c: {  	v2 =	vand.u32 $0x7, v2  }
0x2d: {  	v2 =	vor.u32 v2, v3  }
0x2e: {  	v2 =	vperm.xlane v2, v0;
	_ =	sdelay $0x1  }
0x2f: {  	v2 =	vadd.s32 v1, v2;
	_ =	sdelay $0x4  }
0x30: {  	[tilespmem:s6], [sflag:$0x1] =	stream.indirect_vreg.gather [hbm4b:s2+s3], $0x80, v2, vm0, $0xb8;
	[tilespmem:$0x1880] =	vst v63  }
0x31: {  	_ = 	snop  }
0x32: {  	[tilespmem:s9], [sflag:$0x1] =	stream.indirect_vreg.gather [hbm4b:s7+s3], $0x80, v2, vm0, $0xb8;
	[tilespmem:$0x1880] =	vst v63  }
0x33: {  	_ = 	snop  }
0x34: {  	[tilespmem:s10], [sflag:$0x1] =	stream.indirect_vreg.gather [hbm4b:s8+s3], $0x80, v2, vm0, $0xb8;
	[tilespmem:$0x1880] =	vst v63  }
0x35: {  	_ =	swait.ge [sflag:s11], $0x1800  }
.Ltmp2:
0x36: {  	[sflag:s11] =	ssyncset.done $0x0;
	(pc) =	sbr.rel @p0 .LBB2_2-.Ltmp2, $4  }
0x37: {  	[sflag:s11] =	ssyncadd.s32 $0xFFFFE800  }
0x38: {  	[hbm4b:s12+s3] =	stream.linear.scatter [tilespmem:s6], [sflag:$0x2], $0x1800, $0x38;
	[tilespmem:$0x1880] =	vst v63  }
0x39: {  	_ =	swait.ge [sflag:s4], $0x1800  }
0x3a: {  	[sflag:s4] =	ssyncset.done $0x0  }
.LBB2_3:
0x3b: {  	[sflag:s4] =	ssyncadd.s32 $0xFFFFE800  }
.LBB2_4:
0x3c: {  	_ =	sfence.sel $0x180000  }
0x3d: {  	[bflag:$0x0] =	sbarrier.arrive $0xFFFF  }
0x3e: {  	p0 =	sne.s32 s1, $0x0;
	_ =	strace $0x90000047  }
0x3f: {  	s0 =	sadd.s32 @!p0 $0x100000, s0;
	[bflag:$0x2] =	sbarrier.arrive $0xFFFF  }
0x40: {  	[sflag:s0] =	ssyncadd.tile.s32 @!p0 $0x1;
	_ =	shalt  }
.Lfunc_end2:
_tile_overlayer_lowered:
.L_overlay_start_2:
0x41: {  	(tag) =	ssettag $0x2  }
0x42: {  	s0 =	rddreg [dreg:$0x0];
	s2 =	stileid.u32  }
0x43: {  	s1 =	rddreg [dreg:$0x1];
	p0 =	sne.s32 s2, $0x0  }
0x44: {  	s3 =	rddreg [dreg:$0x2];
	[bflag:$0x3] =	sbarrier.arrive $0xFFFF;
	s2 =	simm.s32 @!p0 $0x1C02  }
0x45: {  	[timem:s3], [sflag:s2] =	dma.local @!p0 [hbm:s0], s1  }
0x46: {  	s0 =	simm.s32 @!p0 $0x2  }
0x47: {  	_ =	swait.ge @!p0 [sflag:s0], s1  }
0x48: {  	s1 =	ssub.s32 @!p0 $0x0, s1;
	[sflag:s0] =	ssyncset.done @!p0 $0x0  }
0x49: {  	[sflag:s0] =	ssyncadd.s32 @!p0 s1  }
0x4a: {  	[bflag:$0x3] =	sbarrier.arrive $0xFFFF  }
0x4b: {  	_ =	shalt  }

</sc_bundles>
